<compile_context>
chip_gen: v7x
topology: tpu7x:2x2x1
jax: 0.10.2.dev20260603
libtpu: 0.0.44.dev20260713+nightly
codegen_flags: <defaults>
</compile_context>

<pallas_src>
import functools

import jax
import jax.numpy as jnp
from jax import lax
from jax.experimental import pallas as pl
from jax.experimental.pallas import tpu as pltpu
from jax.experimental.pallas import tpu_sc as plsc

N = 10000
NP = 10240
E = 320000
F_IN = 128
F = 64
FW = 128
NC, NS, L = 2, 16, 16
NW = NC * NS
CH = 128
EPT = -(-E // NW // CH) * CH
EP = EPT * NW
NPT = NP // NS
NSCALE = F // L + 1
BN = 1024
NBLK = NP // BN

_f32 = jnp.float32


def _table_row(h):
    n = h.shape[0]
    return jnp.concatenate(
        [h, jnp.full((n, 1), 1.0, _f32), jnp.zeros((n, FW - F - 1), _f32)],
        axis=1)


def _enc_body(x_ref, w_ref, asv_ref, adv_ref, t_ref, as_ref, ad_ref, sh_ref,
              m_ref):
    i = pl.program_id(0)
    h = jnp.dot(x_ref[...], w_ref[...], preferred_element_type=_f32)
    t_ref[...] = _table_row(h)
    asr = jnp.sum(h * asv_ref[...], axis=1, keepdims=True)
    adr = jnp.sum(h * adv_ref[...], axis=1, keepdims=True)
    as_ref[...] = asr
    ad_ref[...] = adr

    @pl.when(i == 0)
    def _():
        m_ref[0] = -jnp.inf
        m_ref[1] = -jnp.inf

    m_ref[0] = jnp.maximum(m_ref[0], jnp.max(asr))
    m_ref[1] = jnp.maximum(m_ref[1], jnp.max(adr))

    @pl.when(i == NBLK - 1)
    def _():
        g = m_ref[0] + m_ref[1]
        g = jnp.where(g >= 0.0, g, 0.2 * g)
        sh_ref[...] = jnp.full((8, 128), g, _f32)


def _encode(xp, W, att_src, att_dst):
    fin = xp.shape[1]
    return pl.pallas_call(
        _enc_body,
        grid=(NBLK,),
        in_specs=[
            pl.BlockSpec((BN, fin), lambda i: (i, 0)),
            pl.BlockSpec((fin, F), lambda i: (0, 0)),
            pl.BlockSpec((1, F), lambda i: (0, 0)),
            pl.BlockSpec((1, F), lambda i: (0, 0)),
        ],
        out_specs=[
            pl.BlockSpec((BN, FW), lambda i: (i, 0)),
            pl.BlockSpec((BN, 1), lambda i: (i, 0)),
            pl.BlockSpec((BN, 1), lambda i: (i, 0)),
            pl.BlockSpec((8, 128), lambda i: (0, 0)),
        ],
        out_shape=[
            jax.ShapeDtypeStruct((NP, FW), _f32),
            jax.ShapeDtypeStruct((NP, 1), _f32),
            jax.ShapeDtypeStruct((NP, 1), _f32),
            jax.ShapeDtypeStruct((8, 128), _f32),
        ],
        scratch_shapes=[pltpu.SMEM((2,), _f32)],
    )(xp, W, att_src, att_dst)


def _edge_body(tab_hbm, asrc_hbm, adst_hbm, srcp_hbm, dstp_hbm, shift_hbm,
               acc_hbm,
               asrc_t, adst_t, sidx, didx, wbuf, rows, gbuf,
               acc_s, gsem):
    cid = lax.axis_index("c")
    sid = lax.axis_index("s")
    w = cid * NS + sid

    zv = jnp.zeros((L,), _f32)

    def _zr(i, _):
        for j in range(FW // L):
            rows[i, pl.ds(j * L, L)] = zv
        return 0

    lax.fori_loop(0, CH, _zr, 0)

    pltpu.sync_copy(asrc_hbm, asrc_t)
    pltpu.sync_copy(adst_hbm, adst_t)
    pltpu.sync_copy(shift_hbm.at[pl.ds(0, L)], gbuf)
    r0 = sid * NPT
    for r in range(NPT // CH):
        pltpu.sync_copy(rows, acc_s.at[pl.ds(r0 + r * CH, CH)])
    plsc.subcore_barrier()

    gv = gbuf[...]
    base0 = w * EPT

    def _chunk(c, _):
        b = base0 + c * CH
        pltpu.sync_copy(srcp_hbm.at[pl.ds(b, CH)], sidx)
        pltpu.sync_copy(dstp_hbm.at[pl.ds(b, CH)], didx)
        cp = pltpu.async_copy(tab_hbm.at[sidx], rows, gsem)

        def _grp(i, _):
            sv = sidx[pl.ds(i * L, L)]
            dv = didx[pl.ds(i * L, L)]
            ag = plsc.load_gather(asrc_t, [sv])
            dg = plsc.load_gather(adst_t, [dv])
            al = ag + dg
            al = jnp.where(al >= 0.0, al, 0.2 * al)
            wbuf[pl.ds(i * L, L)] = jnp.exp(al - gv)
            return 0

        lax.fori_loop(0, CH // L, _grp, 0)
        cp.wait()

        def _scale(e, _):
            wv = plsc.load_gather(wbuf, [jnp.full((L,), e, jnp.int32)])
            for j in range(NSCALE):
                rows[e, pl.ds(j * L, L)] = rows[e, pl.ds(j * L, L)] * wv
            return 0

        lax.fori_loop(0, CH, _scale, 0)
        pltpu.sync_copy(rows, acc_s.at[didx], add=True)
        return 0

    lax.fori_loop(0, EPT // CH, _chunk, 0)
    plsc.subcore_barrier()

    pltpu.sync_copy(acc_s.at[pl.ds(r0, NPT)], acc_hbm.at[cid, pl.ds(r0, NPT)])


@functools.lru_cache(maxsize=None)
def _edge_kernel():
    return pl.kernel(
        _edge_body,
        out_type=[jax.ShapeDtypeStruct((NC, NP, FW), _f32)],
        mesh=plsc.VectorSubcoreMesh(core_axis_name="c", subcore_axis_name="s",
                                    num_cores=NC, num_subcores=NS),
        scratch_types=[
            pltpu.VMEM((NP,), _f32),
            pltpu.VMEM((NP,), _f32),
            pltpu.VMEM((CH,), jnp.int32),
            pltpu.VMEM((CH,), jnp.int32),
            pltpu.VMEM((CH,), _f32),
            pltpu.VMEM((CH, FW), _f32),
            pltpu.VMEM((L,), _f32),
            pltpu.VMEM_SHARED((NP, FW), _f32),
            pltpu.SemaphoreType.DMA,
        ],
        compiler_params=pltpu.CompilerParams(needs_layout_passes=False),
    )


def _edge(*args):
    return _edge_kernel()(*args)[0]


def _comb_body(acc_ref, t_ref, as_ref, ad_ref, sh_ref, b_ref, w_ref,
               asv_ref, adv_ref, t2_ref, as2_ref, ad2_ref, sh2_ref, m_ref):
    i = pl.program_id(0)
    al = as_ref[...] + ad_ref[...]
    al = jnp.where(al >= 0.0, al, 0.2 * al)
    ws = jnp.exp(al - jnp.max(sh_ref[...]))
    tot = acc_ref[0] + acc_ref[1] + ws * t_ref[...]
    h2 = jnp.maximum(tot[:, :F] / (tot[:, F:F + 1] + 1e-16) + b_ref[...], 0.0)
    hw = jnp.dot(h2, w_ref[...], preferred_element_type=_f32)
    t2_ref[...] = _table_row(hw)
    asr = jnp.sum(hw * asv_ref[...], axis=1, keepdims=True)
    adr = jnp.sum(hw * adv_ref[...], axis=1, keepdims=True)
    as2_ref[...] = asr
    ad2_ref[...] = adr

    @pl.when(i == 0)
    def _():
        m_ref[0] = -jnp.inf
        m_ref[1] = -jnp.inf

    m_ref[0] = jnp.maximum(m_ref[0], jnp.max(asr))
    m_ref[1] = jnp.maximum(m_ref[1], jnp.max(adr))

    @pl.when(i == NBLK - 1)
    def _():
        g = m_ref[0] + m_ref[1]
        g = jnp.where(g >= 0.0, g, 0.2 * g)
        sh2_ref[...] = jnp.full((8, 128), g, _f32)


def _combine(acc, tab, a_s, a_d, sh, b, W, att_src, att_dst):
    return pl.pallas_call(
        _comb_body,
        grid=(NBLK,),
        in_specs=[
            pl.BlockSpec((NC, BN, FW), lambda i: (0, i, 0)),
            pl.BlockSpec((BN, FW), lambda i: (i, 0)),
            pl.BlockSpec((BN, 1), lambda i: (i, 0)),
            pl.BlockSpec((BN, 1), lambda i: (i, 0)),
            pl.BlockSpec((8, 128), lambda i: (0, 0)),
            pl.BlockSpec((1, F), lambda i: (0, 0)),
            pl.BlockSpec((F, F), lambda i: (0, 0)),
            pl.BlockSpec((1, F), lambda i: (0, 0)),
            pl.BlockSpec((1, F), lambda i: (0, 0)),
        ],
        out_specs=[
            pl.BlockSpec((BN, FW), lambda i: (i, 0)),
            pl.BlockSpec((BN, 1), lambda i: (i, 0)),
            pl.BlockSpec((BN, 1), lambda i: (i, 0)),
            pl.BlockSpec((8, 128), lambda i: (0, 0)),
        ],
        out_shape=[
            jax.ShapeDtypeStruct((NP, FW), _f32),
            jax.ShapeDtypeStruct((NP, 1), _f32),
            jax.ShapeDtypeStruct((NP, 1), _f32),
            jax.ShapeDtypeStruct((8, 128), _f32),
        ],
        scratch_shapes=[pltpu.SMEM((2,), _f32)],
    )(acc, tab, a_s, a_d, sh, b, W, att_src, att_dst)


def _fin_body(acc_ref, t_ref, as_ref, ad_ref, sh_ref, b_ref, out_ref):
    al = as_ref[...] + ad_ref[...]
    al = jnp.where(al >= 0.0, al, 0.2 * al)
    ws = jnp.exp(al - jnp.max(sh_ref[...]))
    tot = acc_ref[0] + acc_ref[1] + ws * t_ref[...]
    out_ref[...] = tot[:, :F] / (tot[:, F:F + 1] + 1e-16) + b_ref[...]


def _final(acc, tab, a_s, a_d, sh, b):
    return pl.pallas_call(
        _fin_body,
        grid=(NBLK,),
        in_specs=[
            pl.BlockSpec((NC, BN, FW), lambda i: (0, i, 0)),
            pl.BlockSpec((BN, FW), lambda i: (i, 0)),
            pl.BlockSpec((BN, 1), lambda i: (i, 0)),
            pl.BlockSpec((BN, 1), lambda i: (i, 0)),
            pl.BlockSpec((8, 128), lambda i: (0, 0)),
            pl.BlockSpec((1, F), lambda i: (0, 0)),
        ],
        out_specs=pl.BlockSpec((BN, F), lambda i: (i, 0)),
        out_shape=jax.ShapeDtypeStruct((NP, F), _f32),
    )(acc, tab, a_s, a_d, sh, b)


def kernel(x, edge_index, W1, att_src1, att_dst1, b1, W2, att_src2, att_dst2,
           b2):
    xp = jnp.zeros((NP, F_IN), _f32).at[:N].set(x)
    pidx = jnp.arange(EP - E, dtype=jnp.int32)
    srcp = jnp.concatenate([edge_index[0], pidx % N])
    dstp = jnp.concatenate([edge_index[1], N + pidx % (NP - N)])

    tab1, as1, ad1, sh1 = _encode(xp, W1, att_src1, att_dst1)
    acc1 = _edge(tab1, as1.reshape(NP), ad1.reshape(NP), srcp, dstp,
                 sh1.reshape(8 * 128))
    tab2, as2, ad2, sh2 = _combine(acc1, tab1, as1, ad1, sh1,
                                   b1.reshape(1, F), W2, att_src2, att_dst2)
    acc2 = _edge(tab2, as2.reshape(NP), ad2.reshape(NP), srcp, dstp,
                 sh2.reshape(8 * 128))
    outp = _final(acc2, tab2, as2, ad2, sh2, b2.reshape(1, F))
    return outp[:N]

# --- scband reference (transcript-rebuilt; emitter-appended) ---
"""Pipeline reference for scband-gat-12661563588624 (READ-ONLY COPY).

The authoritative reference and input builder live on the scoring server;
editing this copy changes nothing except your own understanding.
"""

import jax, jax.numpy as jnp
import numpy as np

N = 10000
E = 320000
IN_C = 128
HID = 64
OUT_C = 64


def setup_inputs(seed: int = 0) -> dict:
    key = jax.random.key(seed)
    ks = jax.random.split(key, 10)
    x = jax.random.normal(ks[0], (N, IN_C), dtype=jnp.float32)
    edge_index = jax.random.randint(ks[1], (2, E), 0, N, dtype=jnp.int32)
    # layer 1: GATConv(128 -> 64, heads=1, concat=True)
    W1 = jax.random.normal(ks[2], (IN_C, 1 * HID), dtype=jnp.float32) * (1.0 / np.sqrt(IN_C))
    att_src1 = jax.random.normal(ks[3], (1, HID), dtype=jnp.float32) * 0.1
    att_dst1 = jax.random.normal(ks[4], (1, HID), dtype=jnp.float32) * 0.1
    b1 = jnp.zeros((1 * HID,), dtype=jnp.float32)
    # layer 2: GATConv(64 -> 64, heads=1, concat=False)
    W2 = jax.random.normal(ks[5], (1 * HID, 1 * OUT_C), dtype=jnp.float32) * (1.0 / np.sqrt(HID))
    att_src2 = jax.random.normal(ks[6], (1, OUT_C), dtype=jnp.float32) * 0.1
    att_dst2 = jax.random.normal(ks[7], (1, OUT_C), dtype=jnp.float32) * 0.1
    b2 = jnp.zeros((OUT_C,), dtype=jnp.float32)
    return {"x": x, "edge_index": edge_index, "W1": W1, "att_src1": att_src1,
            "att_dst1": att_dst1, "b1": b1, "W2": W2, "att_src2": att_src2,
            "att_dst2": att_dst2, "b2": b2}


def _gat_conv(x, edge_index, W, att_src, att_dst, bias, heads, out_c, concat):
    n = x.shape[0]
    # add self loops (PyG GATConv default add_self_loops=True)
    loop = jnp.arange(n, dtype=edge_index.dtype)
    ei = jnp.concatenate([edge_index, jnp.stack([loop, loop])], axis=1)
    src, dst = ei[0], ei[1]
    h = (x @ W).reshape(n, heads, out_c)  # [N, H, C]
    a_src = (h * att_src[None]).sum(-1)   # [N, H]
    a_dst = (h * att_dst[None]).sum(-1)   # [N, H]
    alpha = a_src[src] + a_dst[dst]       # [E', H]
    alpha = jax.nn.leaky_relu(alpha, 0.2)
    m = jax.ops.segment_max(alpha, dst, num_segments=n)
    alpha = jnp.exp(alpha - m[dst])
    denom = jax.ops.segment_sum(alpha, dst, num_segments=n)
    alpha = alpha / (denom[dst] + 1e-16)
    msg = alpha[:, :, None] * h[src]      # [E', H, C]
    out = jax.ops.segment_sum(msg, dst, num_segments=n)  # [N, H, C]
    if concat:
        out = out.reshape(n, heads * out_c)
    else:
        out = out.mean(axis=1)
    return out + bias


def reference(x, edge_index, W1, att_src1, att_dst1, b1, W2, att_src2, att_dst2, b2):
    h = _gat_conv(x, edge_index, W1, att_src1, att_dst1, b1, 1, HID, True)
    h = jax.nn.relu(h)
    out = _gat_conv(h, edge_index, W2, att_src2, att_dst2, b2, 1, OUT_C, False)
    return out

if __name__ == "__main__":
    import jax
    _d = setup_inputs()
    print(jax.jit(kernel)(*tuple(_d.values())))

</pallas_src>

<mosaic_0001>
#map = affine_map<(d0, d1) -> (0, 0)>
#map1 = affine_map<(d0, d1) -> (0)>
#map2 = affine_map<(d0, d1) -> (0, 0, 0)>
module attributes {stable_mosaic.version = 14 : i64} {
  func.func @_edge_body(%arg0: i32, %arg1: i32, %arg2: memref<10240x128xf32, #tpu.memory_space<hbm>>, %arg3: memref<10240xf32, #tpu.memory_space<hbm>>, %arg4: memref<10240xf32, #tpu.memory_space<hbm>>, %arg5: memref<323584xi32, #tpu.memory_space<hbm>>, %arg6: memref<323584xi32, #tpu.memory_space<hbm>>, %arg7: memref<1024xf32, #tpu.memory_space<hbm>>, %arg8: memref<2x10240x128xf32, #tpu.memory_space<hbm>>, %arg9: memref<10240xf32, #tpu.memory_space<vmem>>, %arg10: memref<10240xf32, #tpu.memory_space<vmem>>, %arg11: memref<128xi32, #tpu.memory_space<vmem>>, %arg12: memref<128xi32, #tpu.memory_space<vmem>>, %arg13: memref<128xf32, #tpu.memory_space<vmem>>, %arg14: memref<128x128xf32, #tpu.memory_space<vmem>>, %arg15: memref<16xf32, #tpu.memory_space<vmem>>, %arg16: memref<10240x128xf32, #tpu.memory_space<vmem_shared>>, %arg17: memref<!tpu.dma_semaphore, #tpu.memory_space<semaphore_mem>>) attributes {dimension_semantics = [#tpu.dimension_semantics<core_parallel>, #tpu.dimension_semantics<subcore_parallel>], iteration_bounds = array<i64: 2, 16>, scalar_prefetch = 0 : i64, scratch_operands = 9 : i64, tpu.core_type = #tpu.core_type<sc_vector_subcore>, window_params = [{transform_indices = #map}, {transform_indices = #map1}, {transform_indices = #map1}, {transform_indices = #map1}, {transform_indices = #map1}, {transform_indices = #map1}, {transform_indices = #map2}]} {
    %mul3A = arith.constant 16 : i32
    %mul3A_0 = arith.muli %arg0, %mul3A : i32
    %add3A = arith.addi %mul3A_0, %arg1 : i32
    %broadcast_in_dim3A = arith.constant 0.000000e+00 : f32
    %broadcast_in_dim3A_1 = vector.broadcast %broadcast_in_dim3A : f32 to vector<16xf32>
    %scan3A = arith.constant 0 : i32
    %scan3A_2 = arith.constant 0 : i32
    %scan3A_3 = arith.constant 128 : i32
    %scan3A_4 = arith.addi %scan3A_2, %scan3A_3 : i32
    %scan3A_5 = arith.constant 1 : i32
    %scan3A_6 = scf.for %scan3A_31 = %scan3A_2 to %scan3A_4 step %scan3A_5 iter_args(%scan3A_32 = %scan3A) -> (i32)  : i32 {
      %swap3A = arith.index_cast %scan3A_31 : i32 to index
      %swap3A_33 = arith.constant 0 : index
      %swap3A_34 = tpu.vector_load %arg14[%swap3A, %swap3A_33] {strides = array<i32>} : memref<128x128xf32, #tpu.memory_space<vmem>>, vector<16xf32>,
      tpu.vector_store %arg14[%swap3A, %swap3A_33], %broadcast_in_dim3A_1 {strides = array<i32>} : memref<128x128xf32, #tpu.memory_space<vmem>>, vector<16xf32>,
      %swap3A_35 = arith.index_cast %scan3A_31 : i32 to index
      %swap3A_36 = arith.constant 16 : index
      %swap3A_37 = tpu.vector_load %arg14[%swap3A_35, %swap3A_36] {strides = array<i32>} : memref<128x128xf32, #tpu.memory_space<vmem>>, vector<16xf32>,
      tpu.vector_store %arg14[%swap3A_35, %swap3A_36], %broadcast_in_dim3A_1 {strides = array<i32>} : memref<128x128xf32, #tpu.memory_space<vmem>>, vector<16xf32>,
      %swap3A_38 = arith.index_cast %scan3A_31 : i32 to index
      %swap3A_39 = arith.constant 32 : index
      %swap3A_40 = tpu.vector_load %arg14[%swap3A_38, %swap3A_39] {strides = array<i32>} : memref<128x128xf32, #tpu.memory_space<vmem>>, vector<16xf32>,
      tpu.vector_store %arg14[%swap3A_38, %swap3A_39], %broadcast_in_dim3A_1 {strides = array<i32>} : memref<128x128xf32, #tpu.memory_space<vmem>>, vector<16xf32>,
      %swap3A_41 = arith.index_cast %scan3A_31 : i32 to index
      %swap3A_42 = arith.constant 48 : index
      %swap3A_43 = tpu.vector_load %arg14[%swap3A_41, %swap3A_42] {strides = array<i32>} : memref<128x128xf32, #tpu.memory_space<vmem>>, vector<16xf32>,
      tpu.vector_store %arg14[%swap3A_41, %swap3A_42], %broadcast_in_dim3A_1 {strides = array<i32>} : memref<128x128xf32, #tpu.memory_space<vmem>>, vector<16xf32>,
      %swap3A_44 = arith.index_cast %scan3A_31 : i32 to index
      %swap3A_45 = arith.constant 64 : index
      %swap3A_46 = tpu.vector_load %arg14[%swap3A_44, %swap3A_45] {strides = array<i32>} : memref<128x128xf32, #tpu.memory_space<vmem>>, vector<16xf32>,
      tpu.vector_store %arg14[%swap3A_44, %swap3A_45], %broadcast_in_dim3A_1 {strides = array<i32>} : memref<128x128xf32, #tpu.memory_space<vmem>>, vector<16xf32>,
      %swap3A_47 = arith.index_cast %scan3A_31 : i32 to index
      %swap3A_48 = arith.constant 80 : index
      %swap3A_49 = tpu.vector_load %arg14[%swap3A_47, %swap3A_48] {strides = array<i32>} : memref<128x128xf32, #tpu.memory_space<vmem>>, vector<16xf32>,
      tpu.vector_store %arg14[%swap3A_47, %swap3A_48], %broadcast_in_dim3A_1 {strides = array<i32>} : memref<128x128xf32, #tpu.memory_space<vmem>>, vector<16xf32>,
      %swap3A_50 = arith.index_cast %scan3A_31 : i32 to index
      %swap3A_51 = arith.constant 96 : index
      %swap3A_52 = tpu.vector_load %arg14[%swap3A_50, %swap3A_51] {strides = array<i32>} : memref<128x128xf32, #tpu.memory_space<vmem>>, vector<16xf32>,
      tpu.vector_store %arg14[%swap3A_50, %swap3A_51], %broadcast_in_dim3A_1 {strides = array<i32>} : memref<128x128xf32, #tpu.memory_space<vmem>>, vector<16xf32>,
      %swap3A_53 = arith.index_cast %scan3A_31 : i32 to index
      %swap3A_54 = arith.constant 112 : index
      %swap3A_55 = tpu.vector_load %arg14[%swap3A_53, %swap3A_54] {strides = array<i32>} : memref<128x128xf32, #tpu.memory_space<vmem>>, vector<16xf32>,
      tpu.vector_store %arg14[%swap3A_53, %swap3A_54], %broadcast_in_dim3A_1 {strides = array<i32>} : memref<128x128xf32, #tpu.memory_space<vmem>>, vector<16xf32>,
      %scan3A_56 = arith.constant 0 : i32
      scf.yield %scan3A_56 : i32
    }
    %scan3A_7 = arith.constant 128 : i32
    "tpu.region"() ({
      %run_scoped3A = tpu.sem_alloc : memref<!tpu.dma_semaphore, #tpu.memory_space<semaphore_mem>>
      tpu.enqueue_dma source(%arg3 : memref<10240xf32, #tpu.memory_space<hbm>>) target(%arg9 : memref<10240xf32, #tpu.memory_space<vmem>>) target_semaphore(%run_scoped3A : memref<!tpu.dma_semaphore, #tpu.memory_space<semaphore_mem>>)
      tpu.wait_dma2 semaphore(%run_scoped3A : memref<!tpu.dma_semaphore, #tpu.memory_space<semaphore_mem>>) src(%arg3 : memref<10240xf32, #tpu.memory_space<hbm>>) dst(%arg9 : memref<10240xf32, #tpu.memory_space<vmem>>)
      tpu.yield
    }) : () -> ()
    "tpu.region"() ({
      %run_scoped3A = tpu.sem_alloc : memref<!tpu.dma_semaphore, #tpu.memory_space<semaphore_mem>>
      tpu.enqueue_dma source(%arg4 : memref<10240xf32, #tpu.memory_space<hbm>>) target(%arg10 : memref<10240xf32, #tpu.memory_space<vmem>>) target_semaphore(%run_scoped3A : memref<!tpu.dma_semaphore, #tpu.memory_space<semaphore_mem>>)
      tpu.wait_dma2 semaphore(%run_scoped3A : memref<!tpu.dma_semaphore, #tpu.memory_space<semaphore_mem>>) src(%arg4 : memref<10240xf32, #tpu.memory_space<hbm>>) dst(%arg10 : memref<10240xf32, #tpu.memory_space<vmem>>)
      tpu.yield
    }) : () -> ()
    "tpu.region"() ({
      %run_scoped3A = tpu.sem_alloc : memref<!tpu.dma_semaphore, #tpu.memory_space<semaphore_mem>>
      %dma_start3A = arith.constant 0 : i32
      %dma_start3A_31 = tpu.memref_slice %arg7[%dma_start3A] : memref<1024xf32, #tpu.memory_space<hbm>> -> memref<16xf32, #tpu.memory_space<hbm>>
      %dma_start3A_32 = arith.constant 0 : i32
      %dma_start3A_33 = tpu.memref_slice %arg7[%dma_start3A_32] : memref<1024xf32, #tpu.memory_space<hbm>> -> memref<16xf32, #tpu.memory_space<hbm>>
      tpu.enqueue_dma source(%dma_start3A_33 : memref<16xf32, #tpu.memory_space<hbm>>) target(%arg15 : memref<16xf32, #tpu.memory_space<vmem>>) target_semaphore(%run_scoped3A : memref<!tpu.dma_semaphore, #tpu.memory_space<semaphore_mem>>)
      %dma_wait3A = arith.constant 0 : i32
      %dma_wait3A_34 = tpu.memref_slice %arg7[%dma_wait3A] : memref<1024xf32, #tpu.memory_space<hbm>> -> memref<16xf32, #tpu.memory_space<hbm>>
      %dma_wait3A_35 = arith.constant 0 : i32
      %dma_wait3A_36 = tpu.memref_slice %arg7[%dma_wait3A_35] : memref<1024xf32, #tpu.memory_space<hbm>> -> memref<16xf32, #tpu.memory_space<hbm>>
      tpu.wait_dma2 semaphore(%run_scoped3A : memref<!tpu.dma_semaphore, #tpu.memory_space<semaphore_mem>>) src(%dma_wait3A_36 : memref<16xf32, #tpu.memory_space<hbm>>) dst(%arg15 : memref<16xf32, #tpu.memory_space<vmem>>)
      tpu.yield
    }) : () -> ()
    %mul3A_8 = arith.constant 640 : i32
    %mul3A_9 = arith.muli %arg1, %mul3A_8 : i32
    %add3A_10 = arith.constant 0 : i32
    %add3A_11 = arith.addi %mul3A_9, %add3A_10 : i32
    "tpu.region"() ({
      %run_scoped3A = tpu.sem_alloc : memref<!tpu.dma_semaphore, #tpu.memory_space<semaphore_mem>>
      %dma_start3A = arith.constant 0 : i32
      %dma_start3A_31 = tpu.memref_slice %arg16[%add3A_11, %dma_start3A] : memref<10240x128xf32, #tpu.memory_space<vmem_shared>> -> memref<128x128xf32, #tpu.memory_space<vmem_shared>>
      %dma_start3A_32 = arith.constant 0 : i32
      %dma_start3A_33 = tpu.memref_slice %arg16[%add3A_11, %dma_start3A_32] : memref<10240x128xf32, #tpu.memory_space<vmem_shared>> -> memref<128x128xf32, #tpu.memory_space<vmem_shared>>
      tpu.enqueue_dma source(%arg14 : memref<128x128xf32, #tpu.memory_space<vmem>>) target(%dma_start3A_33 : memref<128x128xf32, #tpu.memory_space<vmem_shared>>) target_semaphore(%run_scoped3A : memref<!tpu.dma_semaphore, #tpu.memory_space<semaphore_mem>>)
      %dma_wait3A = arith.constant 0 : i32
      %dma_wait3A_34 = tpu.memref_slice %arg16[%add3A_11, %dma_wait3A] : memref<10240x128xf32, #tpu.memory_space<vmem_shared>> -> memref<128x128xf32, #tpu.memory_space<vmem_shared>>
      %dma_wait3A_35 = arith.constant 0 : i32
      %dma_wait3A_36 = tpu.memref_slice %arg16[%add3A_11, %dma_wait3A_35] : memref<10240x128xf32, #tpu.memory_space<vmem_shared>> -> memref<128x128xf32, #tpu.memory_space<vmem_shared>>
      tpu.wait_dma2 semaphore(%run_scoped3A : memref<!tpu.dma_semaphore, #tpu.memory_space<semaphore_mem>>) src(%arg14 : memref<128x128xf32, #tpu.memory_space<vmem>>) dst(%dma_wait3A_36 : memref<128x128xf32, #tpu.memory_space<vmem_shared>>)
      tpu.yield
    }) : () -> ()
    %add3A_12 = arith.constant 128 : i32
    %add3A_13 = arith.addi %mul3A_9, %add3A_12 : i32
    "tpu.region"() ({
      %run_scoped3A = tpu.sem_alloc : memref<!tpu.dma_semaphore, #tpu.memory_space<semaphore_mem>>
      %dma_start3A = arith.constant 0 : i32
      %dma_start3A_31 = tpu.memref_slice %arg16[%add3A_13, %dma_start3A] : memref<10240x128xf32, #tpu.memory_space<vmem_shared>> -> memref<128x128xf32, #tpu.memory_space<vmem_shared>>
      %dma_start3A_32 = arith.constant 0 : i32
      %dma_start3A_33 = tpu.memref_slice %arg16[%add3A_13, %dma_start3A_32] : memref<10240x128xf32, #tpu.memory_space<vmem_shared>> -> memref<128x128xf32, #tpu.memory_space<vmem_shared>>
      tpu.enqueue_dma source(%arg14 : memref<128x128xf32, #tpu.memory_space<vmem>>) target(%dma_start3A_33 : memref<128x128xf32, #tpu.memory_space<vmem_shared>>) target_semaphore(%run_scoped3A : memref<!tpu.dma_semaphore, #tpu.memory_space<semaphore_mem>>)
      %dma_wait3A = arith.constant 0 : i32
      %dma_wait3A_34 = tpu.memref_slice %arg16[%add3A_13, %dma_wait3A] : memref<10240x128xf32, #tpu.memory_space<vmem_shared>> -> memref<128x128xf32, #tpu.memory_space<vmem_shared>>
      %dma_wait3A_35 = arith.constant 0 : i32
      %dma_wait3A_36 = tpu.memref_slice %arg16[%add3A_13, %dma_wait3A_35] : memref<10240x128xf32, #tpu.memory_space<vmem_shared>> -> memref<128x128xf32, #tpu.memory_space<vmem_shared>>
      tpu.wait_dma2 semaphore(%run_scoped3A : memref<!tpu.dma_semaphore, #tpu.memory_space<semaphore_mem>>) src(%arg14 : memref<128x128xf32, #tpu.memory_space<vmem>>) dst(%dma_wait3A_36 : memref<128x128xf32, #tpu.memory_space<vmem_shared>>)
      tpu.yield
    }) : () -> ()
    %add3A_14 = arith.constant 256 : i32
    %add3A_15 = arith.addi %mul3A_9, %add3A_14 : i32
    "tpu.region"() ({
      %run_scoped3A = tpu.sem_alloc : memref<!tpu.dma_semaphore, #tpu.memory_space<semaphore_mem>>
      %dma_start3A = arith.constant 0 : i32
      %dma_start3A_31 = tpu.memref_slice %arg16[%add3A_15, %dma_start3A] : memref<10240x128xf32, #tpu.memory_space<vmem_shared>> -> memref<128x128xf32, #tpu.memory_space<vmem_shared>>
      %dma_start3A_32 = arith.constant 0 : i32
      %dma_start3A_33 = tpu.memref_slice %arg16[%add3A_15, %dma_start3A_32] : memref<10240x128xf32, #tpu.memory_space<vmem_shared>> -> memref<128x128xf32, #tpu.memory_space<vmem_shared>>
      tpu.enqueue_dma source(%arg14 : memref<128x128xf32, #tpu.memory_space<vmem>>) target(%dma_start3A_33 : memref<128x128xf32, #tpu.memory_space<vmem_shared>>) target_semaphore(%run_scoped3A : memref<!tpu.dma_semaphore, #tpu.memory_space<semaphore_mem>>)
      %dma_wait3A = arith.constant 0 : i32
      %dma_wait3A_34 = tpu.memref_slice %arg16[%add3A_15, %dma_wait3A] : memref<10240x128xf32, #tpu.memory_space<vmem_shared>> -> memref<128x128xf32, #tpu.memory_space<vmem_shared>>
      %dma_wait3A_35 = arith.constant 0 : i32
      %dma_wait3A_36 = tpu.memref_slice %arg16[%add3A_15, %dma_wait3A_35] : memref<10240x128xf32, #tpu.memory_space<vmem_shared>> -> memref<128x128xf32, #tpu.memory_space<vmem_shared>>
      tpu.wait_dma2 semaphore(%run_scoped3A : memref<!tpu.dma_semaphore, #tpu.memory_space<semaphore_mem>>) src(%arg14 : memref<128x128xf32, #tpu.memory_space<vmem>>) dst(%dma_wait3A_36 : memref<128x128xf32, #tpu.memory_space<vmem_shared>>)
      tpu.yield
    }) : () -> ()
    %add3A_16 = arith.constant 384 : i32
    %add3A_17 = arith.addi %mul3A_9, %add3A_16 : i32
    "tpu.region"() ({
      %run_scoped3A = tpu.sem_alloc : memref<!tpu.dma_semaphore, #tpu.memory_space<semaphore_mem>>
      %dma_start3A = arith.constant 0 : i32
      %dma_start3A_31 = tpu.memref_slice %arg16[%add3A_17, %dma_start3A] : memref<10240x128xf32, #tpu.memory_space<vmem_shared>> -> memref<128x128xf32, #tpu.memory_space<vmem_shared>>
      %dma_start3A_32 = arith.constant 0 : i32
      %dma_start3A_33 = tpu.memref_slice %arg16[%add3A_17, %dma_start3A_32] : memref<10240x128xf32, #tpu.memory_space<vmem_shared>> -> memref<128x128xf32, #tpu.memory_space<vmem_shared>>
      tpu.enqueue_dma source(%arg14 : memref<128x128xf32, #tpu.memory_space<vmem>>) target(%dma_start3A_33 : memref<128x128xf32, #tpu.memory_space<vmem_shared>>) target_semaphore(%run_scoped3A : memref<!tpu.dma_semaphore, #tpu.memory_space<semaphore_mem>>)
      %dma_wait3A = arith.constant 0 : i32
      %dma_wait3A_34 = tpu.memref_slice %arg16[%add3A_17, %dma_wait3A] : memref<10240x128xf32, #tpu.memory_space<vmem_shared>> -> memref<128x128xf32, #tpu.memory_space<vmem_shared>>
      %dma_wait3A_35 = arith.constant 0 : i32
      %dma_wait3A_36 = tpu.memref_slice %arg16[%add3A_17, %dma_wait3A_35] : memref<10240x128xf32, #tpu.memory_space<vmem_shared>> -> memref<128x128xf32, #tpu.memory_space<vmem_shared>>
      tpu.wait_dma2 semaphore(%run_scoped3A : memref<!tpu.dma_semaphore, #tpu.memory_space<semaphore_mem>>) src(%arg14 : memref<128x128xf32, #tpu.memory_space<vmem>>) dst(%dma_wait3A_36 : memref<128x128xf32, #tpu.memory_space<vmem_shared>>)
      tpu.yield
    }) : () -> ()
    %add3A_18 = arith.constant 512 : i32
    %add3A_19 = arith.addi %mul3A_9, %add3A_18 : i32
    "tpu.region"() ({
      %run_scoped3A = tpu.sem_alloc : memref<!tpu.dma_semaphore, #tpu.memory_space<semaphore_mem>>
      %dma_start3A = arith.constant 0 : i32
      %dma_start3A_31 = tpu.memref_slice %arg16[%add3A_19, %dma_start3A] : memref<10240x128xf32, #tpu.memory_space<vmem_shared>> -> memref<128x128xf32, #tpu.memory_space<vmem_shared>>
      %dma_start3A_32 = arith.constant 0 : i32
      %dma_start3A_33 = tpu.memref_slice %arg16[%add3A_19, %dma_start3A_32] : memref<10240x128xf32, #tpu.memory_space<vmem_shared>> -> memref<128x128xf32, #tpu.memory_space<vmem_shared>>
      tpu.enqueue_dma source(%arg14 : memref<128x128xf32, #tpu.memory_space<vmem>>) target(%dma_start3A_33 : memref<128x128xf32, #tpu.memory_space<vmem_shared>>) target_semaphore(%run_scoped3A : memref<!tpu.dma_semaphore, #tpu.memory_space<semaphore_mem>>)
      %dma_wait3A = arith.constant 0 : i32
      %dma_wait3A_34 = tpu.memref_slice %arg16[%add3A_19, %dma_wait3A] : memref<10240x128xf32, #tpu.memory_space<vmem_shared>> -> memref<128x128xf32, #tpu.memory_space<vmem_shared>>
      %dma_wait3A_35 = arith.constant 0 : i32
      %dma_wait3A_36 = tpu.memref_slice %arg16[%add3A_19, %dma_wait3A_35] : memref<10240x128xf32, #tpu.memory_space<vmem_shared>> -> memref<128x128xf32, #tpu.memory_space<vmem_shared>>
      tpu.wait_dma2 semaphore(%run_scoped3A : memref<!tpu.dma_semaphore, #tpu.memory_space<semaphore_mem>>) src(%arg14 : memref<128x128xf32, #tpu.memory_space<vmem>>) dst(%dma_wait3A_36 : memref<128x128xf32, #tpu.memory_space<vmem_shared>>)
      tpu.yield
    }) : () -> ()
    %barrier3A = arith.constant 0 : index
    tpu.barrier barrier_id(%barrier3A)
    %get3A = arith.constant 0 : index
    %get3A_20 = tpu.vector_load %arg15[%get3A] {strides = array<i32>} : memref<16xf32, #tpu.memory_space<vmem>>, vector<16xf32>,
    %mul3A_21 = arith.constant 10112 : i32
    %mul3A_22 = arith.muli %add3A, %mul3A_21 : i32
    %scan3A_23 = arith.constant 0 : i32
    %scan3A_24 = arith.constant 0 : i32
    %scan3A_25 = arith.constant 79 : i32
    %scan3A_26 = arith.addi %scan3A_24, %scan3A_25 : i32
    %scan3A_27 = arith.constant 1 : i32
    %scan3A_28 = scf.for %scan3A_31 = %scan3A_24 to %scan3A_26 step %scan3A_27 iter_args(%scan3A_32 = %scan3A_23) -> (i32)  : i32 {
      %mul3A_33 = arith.constant 128 : i32
      %mul3A_34 = arith.muli %scan3A_31, %mul3A_33 : i32
      %add3A_35 = arith.addi %mul3A_22, %mul3A_34 : i32
      "tpu.region"() ({
        %run_scoped3A = tpu.sem_alloc : memref<!tpu.dma_semaphore, #tpu.memory_space<semaphore_mem>>
        %dma_start3A_55 = tpu.memref_slice %arg5[%add3A_35] : memref<323584xi32, #tpu.memory_space<hbm>> -> memref<128xi32, #tpu.memory_space<hbm>>
        %dma_start3A_56 = tpu.memref_slice %arg5[%add3A_35] : memref<323584xi32, #tpu.memory_space<hbm>> -> memref<128xi32, #tpu.memory_space<hbm>>
        tpu.enqueue_dma source(%dma_start3A_56 : memref<128xi32, #tpu.memory_space<hbm>>) target(%arg11 : memref<128xi32, #tpu.memory_space<vmem>>) target_semaphore(%run_scoped3A : memref<!tpu.dma_semaphore, #tpu.memory_space<semaphore_mem>>)
        %dma_wait3A_57 = tpu.memref_slice %arg5[%add3A_35] : memref<323584xi32, #tpu.memory_space<hbm>> -> memref<128xi32, #tpu.memory_space<hbm>>
        %dma_wait3A_58 = tpu.memref_slice %arg5[%add3A_35] : memref<323584xi32, #tpu.memory_space<hbm>> -> memref<128xi32, #tpu.memory_space<hbm>>
        tpu.wait_dma2 semaphore(%run_scoped3A : memref<!tpu.dma_semaphore, #tpu.memory_space<semaphore_mem>>) src(%dma_wait3A_58 : memref<128xi32, #tpu.memory_space<hbm>>) dst(%arg11 : memref<128xi32, #tpu.memory_space<vmem>>)
        tpu.yield
      }) : () -> ()
      "tpu.region"() ({
        %run_scoped3A = tpu.sem_alloc : memref<!tpu.dma_semaphore, #tpu.memory_space<semaphore_mem>>
        %dma_start3A_55 = tpu.memref_slice %arg6[%add3A_35] : memref<323584xi32, #tpu.memory_space<hbm>> -> memref<128xi32, #tpu.memory_space<hbm>>
        %dma_start3A_56 = tpu.memref_slice %arg6[%add3A_35] : memref<323584xi32, #tpu.memory_space<hbm>> -> memref<128xi32, #tpu.memory_space<hbm>>
        tpu.enqueue_dma source(%dma_start3A_56 : memref<128xi32, #tpu.memory_space<hbm>>) target(%arg12 : memref<128xi32, #tpu.memory_space<vmem>>) target_semaphore(%run_scoped3A : memref<!tpu.dma_semaphore, #tpu.memory_space<semaphore_mem>>)
        %dma_wait3A_57 = tpu.memref_slice %arg6[%add3A_35] : memref<323584xi32, #tpu.memory_space<hbm>> -> memref<128xi32, #tpu.memory_space<hbm>>
        %dma_wait3A_58 = tpu.memref_slice %arg6[%add3A_35] : memref<323584xi32, #tpu.memory_space<hbm>> -> memref<128xi32, #tpu.memory_space<hbm>>
        tpu.wait_dma2 semaphore(%run_scoped3A : memref<!tpu.dma_semaphore, #tpu.memory_space<semaphore_mem>>) src(%dma_wait3A_58 : memref<128xi32, #tpu.memory_space<hbm>>) dst(%arg12 : memref<128xi32, #tpu.memory_space<vmem>>)
        tpu.yield
      }) : () -> ()
      %dma_start3A = arith.constant 0 : i32
      %dma_start3A_36 = arith.constant 0 : i32
      %dma_start3A_37 = tpu.memref_slice %arg2[%dma_start3A, %dma_start3A_36] : memref<10240x128xf32, #tpu.memory_space<hbm>> -> memref<10240x128xf32, #tpu.memory_space<hbm>>
      tpu.enqueue_indirect_dma source(%dma_start3A_37 : memref<10240x128xf32, #tpu.memory_space<hbm>>) target(%arg14 : memref<128x128xf32, #tpu.memory_space<vmem>>) offsets(%arg11 : memref<128xi32, #tpu.memory_space<vmem>>) semaphore(%arg17 : memref<!tpu.dma_semaphore, #tpu.memory_space<semaphore_mem>>)
      %scan3A_38 = arith.constant 0 : i32
      %scan3A_39 = arith.constant 0 : i32
      %scan3A_40 = arith.constant 8 : i32
      %scan3A_41 = arith.addi %scan3A_39, %scan3A_40 : i32
      %scan3A_42 = arith.constant 1 : i32
      %scan3A_43 = scf.for %scan3A_55 = %scan3A_39 to %scan3A_41 step %scan3A_42 iter_args(%scan3A_56 = %scan3A_38) -> (i32)  : i32 {
        %mul3A_57 = arith.constant 16 : i32
        %mul3A_58 = arith.muli %scan3A_55, %mul3A_57 : i32
        %get3A_59 = arith.index_cast %mul3A_58 : i32 to index
        %get3A_60 = tpu.vector_load %arg11[%get3A_59] {strides = array<i32>} : memref<128xi32, #tpu.memory_space<vmem>>, vector<16xi32>,
        %mul3A_61 = arith.constant 16 : i32
        %mul3A_62 = arith.muli %scan3A_55, %mul3A_61 : i32
        %get3A_63 = arith.index_cast %mul3A_62 : i32 to index
        %get3A_64 = tpu.vector_load %arg12[%get3A_63] {strides = array<i32>} : memref<128xi32, #tpu.memory_space<vmem>>, vector<16xi32>,
        %gather3A = tpu.vector_load_idx %arg9[%get3A_60] : memref<10240xf32, #tpu.memory_space<vmem>>[vector<16xi32>], vector<16xf32>,
        %gather3A_65 = tpu.vector_load_idx %arg10[%get3A_64] : memref<10240xf32, #tpu.memory_space<vmem>>[vector<16xi32>], vector<16xf32>,
        %add3A_66 = arith.addf %gather3A, %gather3A_65 : vector<16xf32>
        %ge3A = arith.constant 0.000000e+00 : f32
        %ge3A_67 = vector.broadcast %ge3A : f32 to vector<16xf32>
        %ge3A_68 = arith.cmpf oge, %add3A_66, %ge3A_67 : vector<16xf32>
        %mul3A_69 = arith.constant 2.000000e-01 : f32
        %mul3A_70 = vector.broadcast %mul3A_69 : f32 to vector<16xf32>
        %mul3A_71 = arith.mulf %mul3A_70, %add3A_66 : vector<16xf32>
        %select_n3A = arith.select %ge3A_68, %add3A_66, %mul3A_71 : vector<16xi1>, vector<16xf32>
        %sub3A = arith.subf %select_n3A, %get3A_20 : vector<16xf32>
        %exp3A = math.exp %sub3A : vector<16xf32>
        %mul3A_72 = arith.constant 16 : i32
        %mul3A_73 = arith.muli %scan3A_55, %mul3A_72 : i32
        %swap3A = arith.index_cast %mul3A_73 : i32 to index
        %swap3A_74 = tpu.vector_load %arg13[%swap3A] {strides = array<i32>} : memref<128xf32, #tpu.memory_space<vmem>>, vector<16xf32>,
        tpu.vector_store %arg13[%swap3A], %exp3A {strides = array<i32>} : memref<128xf32, #tpu.memory_space<vmem>>, vector<16xf32>,
        %scan3A_75 = arith.constant 0 : i32
        scf.yield %scan3A_75 : i32
      }
      %scan3A_44 = arith.constant 8 : i32
      %dma_wait3A = arith.constant 0 : i32
      %dma_wait3A_45 = arith.constant 0 : i32
      %dma_wait3A_46 = tpu.memref_slice %arg2[%dma_wait3A, %dma_wait3A_45] : memref<10240x128xf32, #tpu.memory_space<hbm>> -> memref<10240x128xf32, #tpu.memory_space<hbm>>
      tpu.wait_indirect_dma semaphore(%arg17 : memref<!tpu.dma_semaphore, #tpu.memory_space<semaphore_mem>>) src(%dma_wait3A_46 : memref<10240x128xf32, #tpu.memory_space<hbm>>) dst(%arg14 : memref<128x128xf32, #tpu.memory_space<vmem>>)
      %scan3A_47 = arith.constant 0 : i32
      %scan3A_48 = arith.constant 0 : i32
      %scan3A_49 = arith.constant 128 : i32
      %scan3A_50 = arith.addi %scan3A_48, %scan3A_49 : i32
      %scan3A_51 = arith.constant 1 : i32
      %scan3A_52 = scf.for %scan3A_55 = %scan3A_48 to %scan3A_50 step %scan3A_51 iter_args(%scan3A_56 = %scan3A_47) -> (i32)  : i32 {
        %broadcast_in_dim3A_57 = vector.broadcast %scan3A_55 : i32 to vector<16xi32>
        %gather3A = tpu.vector_load_idx %arg13[%broadcast_in_dim3A_57] : memref<128xf32, #tpu.memory_space<vmem>>[vector<16xi32>], vector<16xf32>,
        %get3A_58 = arith.index_cast %scan3A_55 : i32 to index
        %get3A_59 = arith.constant 0 : index
        %get3A_60 = tpu.vector_load %arg14[%get3A_58, %get3A_59] {strides = array<i32>} : memref<128x128xf32, #tpu.memory_space<vmem>>, vector<16xf32>,
        %mul3A_61 = arith.mulf %get3A_60, %gather3A : vector<16xf32>
        %swap3A = arith.index_cast %scan3A_55 : i32 to index
        %swap3A_62 = arith.constant 0 : index
        %swap3A_63 = tpu.vector_load %arg14[%swap3A, %swap3A_62] {strides = array<i32>} : memref<128x128xf32, #tpu.memory_space<vmem>>, vector<16xf32>,
        tpu.vector_store %arg14[%swap3A, %swap3A_62], %mul3A_61 {strides = array<i32>} : memref<128x128xf32, #tpu.memory_space<vmem>>, vector<16xf32>,
        %get3A_64 = arith.index_cast %scan3A_55 : i32 to index
        %get3A_65 = arith.constant 16 : index
        %get3A_66 = tpu.vector_load %arg14[%get3A_64, %get3A_65] {strides = array<i32>} : memref<128x128xf32, #tpu.memory_space<vmem>>, vector<16xf32>,
        %mul3A_67 = arith.mulf %get3A_66, %gather3A : vector<16xf32>
        %swap3A_68 = arith.index_cast %scan3A_55 : i32 to index
        %swap3A_69 = arith.constant 16 : index
        %swap3A_70 = tpu.vector_load %arg14[%swap3A_68, %swap3A_69] {strides = array<i32>} : memref<128x128xf32, #tpu.memory_space<vmem>>, vector<16xf32>,
        tpu.vector_store %arg14[%swap3A_68, %swap3A_69], %mul3A_67 {strides = array<i32>} : memref<128x128xf32, #tpu.memory_space<vmem>>, vector<16xf32>,
        %get3A_71 = arith.index_cast %scan3A_55 : i32 to index
        %get3A_72 = arith.constant 32 : index
        %get3A_73 = tpu.vector_load %arg14[%get3A_71, %get3A_72] {strides = array<i32>} : memref<128x128xf32, #tpu.memory_space<vmem>>, vector<16xf32>,
        %mul3A_74 = arith.mulf %get3A_73, %gather3A : vector<16xf32>
        %swap3A_75 = arith.index_cast %scan3A_55 : i32 to index
        %swap3A_76 = arith.constant 32 : index
        %swap3A_77 = tpu.vector_load %arg14[%swap3A_75, %swap3A_76] {strides = array<i32>} : memref<128x128xf32, #tpu.memory_space<vmem>>, vector<16xf32>,
        tpu.vector_store %arg14[%swap3A_75, %swap3A_76], %mul3A_74 {strides = array<i32>} : memref<128x128xf32, #tpu.memory_space<vmem>>, vector<16xf32>,
        %get3A_78 = arith.index_cast %scan3A_55 : i32 to index
        %get3A_79 = arith.constant 48 : index
        %get3A_80 = tpu.vector_load %arg14[%get3A_78, %get3A_79] {strides = array<i32>} : memref<128x128xf32, #tpu.memory_space<vmem>>, vector<16xf32>,
        %mul3A_81 = arith.mulf %get3A_80, %gather3A : vector<16xf32>
        %swap3A_82 = arith.index_cast %scan3A_55 : i32 to index
        %swap3A_83 = arith.constant 48 : index
        %swap3A_84 = tpu.vector_load %arg14[%swap3A_82, %swap3A_83] {strides = array<i32>} : memref<128x128xf32, #tpu.memory_space<vmem>>, vector<16xf32>,
        tpu.vector_store %arg14[%swap3A_82, %swap3A_83], %mul3A_81 {strides = array<i32>} : memref<128x128xf32, #tpu.memory_space<vmem>>, vector<16xf32>,
        %get3A_85 = arith.index_cast %scan3A_55 : i32 to index
        %get3A_86 = arith.constant 64 : index
        %get3A_87 = tpu.vector_load %arg14[%get3A_85, %get3A_86] {strides = array<i32>} : memref<128x128xf32, #tpu.memory_space<vmem>>, vector<16xf32>,
        %mul3A_88 = arith.mulf %get3A_87, %gather3A : vector<16xf32>
        %swap3A_89 = arith.index_cast %scan3A_55 : i32 to index
        %swap3A_90 = arith.constant 64 : index
        %swap3A_91 = tpu.vector_load %arg14[%swap3A_89, %swap3A_90] {strides = array<i32>} : memref<128x128xf32, #tpu.memory_space<vmem>>, vector<16xf32>,
        tpu.vector_store %arg14[%swap3A_89, %swap3A_90], %mul3A_88 {strides = array<i32>} : memref<128x128xf32, #tpu.memory_space<vmem>>, vector<16xf32>,
        %scan3A_92 = arith.constant 0 : i32
        scf.yield %scan3A_92 : i32
      }
      %scan3A_53 = arith.constant 128 : i32
      "tpu.region"() ({
        %run_scoped3A = tpu.sem_alloc : memref<!tpu.dma_semaphore, #tpu.memory_space<semaphore_mem>>
        %dma_start3A_55 = arith.constant 0 : i32
        %dma_start3A_56 = arith.constant 0 : i32
        %dma_start3A_57 = tpu.memref_slice %arg16[%dma_start3A_55, %dma_start3A_56] : memref<10240x128xf32, #tpu.memory_space<vmem_shared>> -> memref<10240x128xf32, #tpu.memory_space<vmem_shared>>
        tpu.enqueue_indirect_dma source(%arg14 : memref<128x128xf32, #tpu.memory_space<vmem>>) target(%dma_start3A_57 : memref<10240x128xf32, #tpu.memory_space<vmem_shared>>) offsets(%arg12 : memref<128xi32, #tpu.memory_space<vmem>>) semaphore(%run_scoped3A : memref<!tpu.dma_semaphore, #tpu.memory_space<semaphore_mem>>) {add = true}
        %dma_wait3A_58 = arith.constant 0 : i32
        %dma_wait3A_59 = arith.constant 0 : i32
        %dma_wait3A_60 = tpu.memref_slice %arg16[%dma_wait3A_58, %dma_wait3A_59] : memref<10240x128xf32, #tpu.memory_space<vmem_shared>> -> memref<10240x128xf32, #tpu.memory_space<vmem_shared>>
        tpu.wait_indirect_dma semaphore(%run_scoped3A : memref<!tpu.dma_semaphore, #tpu.memory_space<semaphore_mem>>) src(%arg14 : memref<128x128xf32, #tpu.memory_space<vmem>>) dst(%dma_wait3A_60 : memref<10240x128xf32, #tpu.memory_space<vmem_shared>>)
        tpu.yield
      }) : () -> ()
      %scan3A_54 = arith.constant 0 : i32
      scf.yield %scan3A_54 : i32
    }
    %scan3A_29 = arith.constant 79 : i32
    %barrier3A_30 = arith.constant 0 : index
    tpu.barrier barrier_id(%barrier3A_30)
    "tpu.region"() ({
      %run_scoped3A = tpu.sem_alloc : memref<!tpu.dma_semaphore, #tpu.memory_space<semaphore_mem>>
      %dma_start3A = arith.constant 0 : i32
      %dma_start3A_31 = tpu.memref_slice %arg8[%arg0, %mul3A_9, %dma_start3A] : memref<2x10240x128xf32, #tpu.memory_space<hbm>> -> memref<1x640x128xf32, #tpu.memory_space<hbm>>
      %dma_start3A_32 = tpu.memref_squeeze %dma_start3A_31 : memref<1x640x128xf32, #tpu.memory_space<hbm>> -> memref<640x128xf32, #tpu.memory_space<hbm>>
      %dma_start3A_33 = arith.constant 0 : i32
      %dma_start3A_34 = tpu.memref_slice %arg16[%mul3A_9, %dma_start3A_33] : memref<10240x128xf32, #tpu.memory_space<vmem_shared>> -> memref<640x128xf32, #tpu.memory_space<vmem_shared>>
      tpu.enqueue_dma source(%dma_start3A_34 : memref<640x128xf32, #tpu.memory_space<vmem_shared>>) target(%dma_start3A_32 : memref<640x128xf32, #tpu.memory_space<hbm>>) target_semaphore(%run_scoped3A : memref<!tpu.dma_semaphore, #tpu.memory_space<semaphore_mem>>)
      %dma_wait3A = arith.constant 0 : i32
      %dma_wait3A_35 = tpu.memref_slice %arg8[%arg0, %mul3A_9, %dma_wait3A] : memref<2x10240x128xf32, #tpu.memory_space<hbm>> -> memref<1x640x128xf32, #tpu.memory_space<hbm>>
      %dma_wait3A_36 = tpu.memref_squeeze %dma_wait3A_35 : memref<1x640x128xf32, #tpu.memory_space<hbm>> -> memref<640x128xf32, #tpu.memory_space<hbm>>
      %dma_wait3A_37 = arith.constant 0 : i32
      %dma_wait3A_38 = tpu.memref_slice %arg16[%mul3A_9, %dma_wait3A_37] : memref<10240x128xf32, #tpu.memory_space<vmem_shared>> -> memref<640x128xf32, #tpu.memory_space<vmem_shared>>
      tpu.wait_dma2 semaphore(%run_scoped3A : memref<!tpu.dma_semaphore, #tpu.memory_space<semaphore_mem>>) src(%dma_wait3A_38 : memref<640x128xf32, #tpu.memory_space<vmem_shared>>) dst(%dma_wait3A_36 : memref<640x128xf32, #tpu.memory_space<hbm>>)
      tpu.yield
    }) : () -> ()
    return
  }
}

#map = affine_map<(d0, d1) -> (0, 0)>
#map1 = affine_map<(d0, d1) -> (0)>
#map2 = affine_map<(d0, d1) -> (0, 0, 0)>
module attributes {stable_mosaic.version = 14 : i64} {
  func.func @_edge_body(%arg0: i32, %arg1: i32, %arg2: memref<10240x128xf32, #tpu.memory_space<hbm>>, %arg3: memref<10240xf32, #tpu.memory_space<hbm>>, %arg4: memref<10240xf32, #tpu.memory_space<hbm>>, %arg5: memref<323584xi32, #tpu.memory_space<hbm>>, %arg6: memref<323584xi32, #tpu.memory_space<hbm>>, %arg7: memref<1024xf32, #tpu.memory_space<hbm>>, %arg8: memref<2x10240x128xf32, #tpu.memory_space<hbm>>, %arg9: memref<10240xf32, #tpu.memory_space<vmem>>, %arg10: memref<10240xf32, #tpu.memory_space<vmem>>, %arg11: memref<128xi32, #tpu.memory_space<vmem>>, %arg12: memref<128xi32, #tpu.memory_space<vmem>>, %arg13: memref<128xf32, #tpu.memory_space<vmem>>, %arg14: memref<128x128xf32, #tpu.memory_space<vmem>>, %arg15: memref<16xf32, #tpu.memory_space<vmem>>, %arg16: memref<10240x128xf32, #tpu.memory_space<vmem_shared>>, %arg17: memref<!tpu.dma_semaphore, #tpu.memory_space<semaphore_mem>>) attributes {dimension_semantics = [#tpu.dimension_semantics<core_parallel>, #tpu.dimension_semantics<subcore_parallel>], iteration_bounds = array<i64: 2, 16>, scalar_prefetch = 0 : i64, scratch_operands = 9 : i64, tpu.core_type = #tpu.core_type<sc_vector_subcore>, window_params = [{transform_indices = #map}, {transform_indices = #map1}, {transform_indices = #map1}, {transform_indices = #map1}, {transform_indices = #map1}, {transform_indices = #map1}, {transform_indices = #map2}]} {
    %mul3A = arith.constant 16 : i32
    %mul3A_0 = arith.muli %arg0, %mul3A : i32
    %add3A = arith.addi %mul3A_0, %arg1 : i32
    %broadcast_in_dim3A = arith.constant 0.000000e+00 : f32
    %broadcast_in_dim3A_1 = vector.broadcast %broadcast_in_dim3A : f32 to vector<16xf32>
    %scan3A = arith.constant 0 : i32
    %scan3A_2 = arith.constant 0 : i32
    %scan3A_3 = arith.constant 128 : i32
    %scan3A_4 = arith.addi %scan3A_2, %scan3A_3 : i32
    %scan3A_5 = arith.constant 1 : i32
    %scan3A_6 = scf.for %scan3A_31 = %scan3A_2 to %scan3A_4 step %scan3A_5 iter_args(%scan3A_32 = %scan3A) -> (i32)  : i32 {
      %swap3A = arith.index_cast %scan3A_31 : i32 to index
      %swap3A_33 = arith.constant 0 : index
      %swap3A_34 = tpu.vector_load %arg14[%swap3A, %swap3A_33] {strides = array<i32>} : memref<128x128xf32, #tpu.memory_space<vmem>>, vector<16xf32>,
      tpu.vector_store %arg14[%swap3A, %swap3A_33], %broadcast_in_dim3A_1 {strides = array<i32>} : memref<128x128xf32, #tpu.memory_space<vmem>>, vector<16xf32>,
      %swap3A_35 = arith.index_cast %scan3A_31 : i32 to index
      %swap3A_36 = arith.constant 16 : index
      %swap3A_37 = tpu.vector_load %arg14[%swap3A_35, %swap3A_36] {strides = array<i32>} : memref<128x128xf32, #tpu.memory_space<vmem>>, vector<16xf32>,
      tpu.vector_store %arg14[%swap3A_35, %swap3A_36], %broadcast_in_dim3A_1 {strides = array<i32>} : memref<128x128xf32, #tpu.memory_space<vmem>>, vector<16xf32>,
      %swap3A_38 = arith.index_cast %scan3A_31 : i32 to index
      %swap3A_39 = arith.constant 32 : index
      %swap3A_40 = tpu.vector_load %arg14[%swap3A_38, %swap3A_39] {strides = array<i32>} : memref<128x128xf32, #tpu.memory_space<vmem>>, vector<16xf32>,
      tpu.vector_store %arg14[%swap3A_38, %swap3A_39], %broadcast_in_dim3A_1 {strides = array<i32>} : memref<128x128xf32, #tpu.memory_space<vmem>>, vector<16xf32>,
      %swap3A_41 = arith.index_cast %scan3A_31 : i32 to index
      %swap3A_42 = arith.constant 48 : index
      %swap3A_43 = tpu.vector_load %arg14[%swap3A_41, %swap3A_42] {strides = array<i32>} : memref<128x128xf32, #tpu.memory_space<vmem>>, vector<16xf32>,
      tpu.vector_store %arg14[%swap3A_41, %swap3A_42], %broadcast_in_dim3A_1 {strides = array<i32>} : memref<128x128xf32, #tpu.memory_space<vmem>>, vector<16xf32>,
      %swap3A_44 = arith.index_cast %scan3A_31 : i32 to index
      %swap3A_45 = arith.constant 64 : index
      %swap3A_46 = tpu.vector_load %arg14[%swap3A_44, %swap3A_45] {strides = array<i32>} : memref<128x128xf32, #tpu.memory_space<vmem>>, vector<16xf32>,
      tpu.vector_store %arg14[%swap3A_44, %swap3A_45], %broadcast_in_dim3A_1 {strides = array<i32>} : memref<128x128xf32, #tpu.memory_space<vmem>>, vector<16xf32>,
      %swap3A_47 = arith.index_cast %scan3A_31 : i32 to index
      %swap3A_48 = arith.constant 80 : index
      %swap3A_49 = tpu.vector_load %arg14[%swap3A_47, %swap3A_48] {strides = array<i32>} : memref<128x128xf32, #tpu.memory_space<vmem>>, vector<16xf32>,
      tpu.vector_store %arg14[%swap3A_47, %swap3A_48], %broadcast_in_dim3A_1 {strides = array<i32>} : memref<128x128xf32, #tpu.memory_space<vmem>>, vector<16xf32>,
      %swap3A_50 = arith.index_cast %scan3A_31 : i32 to index
      %swap3A_51 = arith.constant 96 : index
      %swap3A_52 = tpu.vector_load %arg14[%swap3A_50, %swap3A_51] {strides = array<i32>} : memref<128x128xf32, #tpu.memory_space<vmem>>, vector<16xf32>,
      tpu.vector_store %arg14[%swap3A_50, %swap3A_51], %broadcast_in_dim3A_1 {strides = array<i32>} : memref<128x128xf32, #tpu.memory_space<vmem>>, vector<16xf32>,
      %swap3A_53 = arith.index_cast %scan3A_31 : i32 to index
      %swap3A_54 = arith.constant 112 : index
      %swap3A_55 = tpu.vector_load %arg14[%swap3A_53, %swap3A_54] {strides = array<i32>} : memref<128x128xf32, #tpu.memory_space<vmem>>, vector<16xf32>,
      tpu.vector_store %arg14[%swap3A_53, %swap3A_54], %broadcast_in_dim3A_1 {strides = array<i32>} : memref<128x128xf32, #tpu.memory_space<vmem>>, vector<16xf32>,
      %scan3A_56 = arith.constant 0 : i32
      scf.yield %scan3A_56 : i32
    }
    %scan3A_7 = arith.constant 128 : i32
    "tpu.region"() ({
      %run_scoped3A = tpu.sem_alloc : memref<!tpu.dma_semaphore, #tpu.memory_space<semaphore_mem>>
      tpu.enqueue_dma source(%arg3 : memref<10240xf32, #tpu.memory_space<hbm>>) target(%arg9 : memref<10240xf32, #tpu.memory_space<vmem>>) target_semaphore(%run_scoped3A : memref<!tpu.dma_semaphore, #tpu.memory_space<semaphore_mem>>)
      tpu.wait_dma2 semaphore(%run_scoped3A : memref<!tpu.dma_semaphore, #tpu.memory_space<semaphore_mem>>) src(%arg3 : memref<10240xf32, #tpu.memory_space<hbm>>) dst(%arg9 : memref<10240xf32, #tpu.memory_space<vmem>>)
      tpu.yield
    }) : () -> ()
    "tpu.region"() ({
      %run_scoped3A = tpu.sem_alloc : memref<!tpu.dma_semaphore, #tpu.memory_space<semaphore_mem>>
      tpu.enqueue_dma source(%arg4 : memref<10240xf32, #tpu.memory_space<hbm>>) target(%arg10 : memref<10240xf32, #tpu.memory_space<vmem>>) target_semaphore(%run_scoped3A : memref<!tpu.dma_semaphore, #tpu.memory_space<semaphore_mem>>)
      tpu.wait_dma2 semaphore(%run_scoped3A : memref<!tpu.dma_semaphore, #tpu.memory_space<semaphore_mem>>) src(%arg4 : memref<10240xf32, #tpu.memory_space<hbm>>) dst(%arg10 : memref<10240xf32, #tpu.memory_space<vmem>>)
      tpu.yield
    }) : () -> ()
    "tpu.region"() ({
      %run_scoped3A = tpu.sem_alloc : memref<!tpu.dma_semaphore, #tpu.memory_space<semaphore_mem>>
      %dma_start3A = arith.constant 0 : i32
      %dma_start3A_31 = tpu.memref_slice %arg7[%dma_start3A] : memref<1024xf32, #tpu.memory_space<hbm>> -> memref<16xf32, #tpu.memory_space<hbm>>
      %dma_start3A_32 = arith.constant 0 : i32
      %dma_start3A_33 = tpu.memref_slice %arg7[%dma_start3A_32] : memref<1024xf32, #tpu.memory_space<hbm>> -> memref<16xf32, #tpu.memory_space<hbm>>
      tpu.enqueue_dma source(%dma_start3A_33 : memref<16xf32, #tpu.memory_space<hbm>>) target(%arg15 : memref<16xf32, #tpu.memory_space<vmem>>) target_semaphore(%run_scoped3A : memref<!tpu.dma_semaphore, #tpu.memory_space<semaphore_mem>>)
      %dma_wait3A = arith.constant 0 : i32
      %dma_wait3A_34 = tpu.memref_slice %arg7[%dma_wait3A] : memref<1024xf32, #tpu.memory_space<hbm>> -> memref<16xf32, #tpu.memory_space<hbm>>
      %dma_wait3A_35 = arith.constant 0 : i32
      %dma_wait3A_36 = tpu.memref_slice %arg7[%dma_wait3A_35] : memref<1024xf32, #tpu.memory_space<hbm>> -> memref<16xf32, #tpu.memory_space<hbm>>
      tpu.wait_dma2 semaphore(%run_scoped3A : memref<!tpu.dma_semaphore, #tpu.memory_space<semaphore_mem>>) src(%dma_wait3A_36 : memref<16xf32, #tpu.memory_space<hbm>>) dst(%arg15 : memref<16xf32, #tpu.memory_space<vmem>>)
      tpu.yield
    }) : () -> ()
    %mul3A_8 = arith.constant 640 : i32
    %mul3A_9 = arith.muli %arg1, %mul3A_8 : i32
    %add3A_10 = arith.constant 0 : i32
    %add3A_11 = arith.addi %mul3A_9, %add3A_10 : i32
    "tpu.region"() ({
      %run_scoped3A = tpu.sem_alloc : memref<!tpu.dma_semaphore, #tpu.memory_space<semaphore_mem>>
      %dma_start3A = arith.constant 0 : i32
      %dma_start3A_31 = tpu.memref_slice %arg16[%add3A_11, %dma_start3A] : memref<10240x128xf32, #tpu.memory_space<vmem_shared>> -> memref<128x128xf32, #tpu.memory_space<vmem_shared>>
      %dma_start3A_32 = arith.constant 0 : i32
      %dma_start3A_33 = tpu.memref_slice %arg16[%add3A_11, %dma_start3A_32] : memref<10240x128xf32, #tpu.memory_space<vmem_shared>> -> memref<128x128xf32, #tpu.memory_space<vmem_shared>>
      tpu.enqueue_dma source(%arg14 : memref<128x128xf32, #tpu.memory_space<vmem>>) target(%dma_start3A_33 : memref<128x128xf32, #tpu.memory_space<vmem_shared>>) target_semaphore(%run_scoped3A : memref<!tpu.dma_semaphore, #tpu.memory_space<semaphore_mem>>)
      %dma_wait3A = arith.constant 0 : i32
      %dma_wait3A_34 = tpu.memref_slice %arg16[%add3A_11, %dma_wait3A] : memref<10240x128xf32, #tpu.memory_space<vmem_shared>> -> memref<128x128xf32, #tpu.memory_space<vmem_shared>>
      %dma_wait3A_35 = arith.constant 0 : i32
      %dma_wait3A_36 = tpu.memref_slice %arg16[%add3A_11, %dma_wait3A_35] : memref<10240x128xf32, #tpu.memory_space<vmem_shared>> -> memref<128x128xf32, #tpu.memory_space<vmem_shared>>
      tpu.wait_dma2 semaphore(%run_scoped3A : memref<!tpu.dma_semaphore, #tpu.memory_space<semaphore_mem>>) src(%arg14 : memref<128x128xf32, #tpu.memory_space<vmem>>) dst(%dma_wait3A_36 : memref<128x128xf32, #tpu.memory_space<vmem_shared>>)
      tpu.yield
    }) : () -> ()
    %add3A_12 = arith.constant 128 : i32
    %add3A_13 = arith.addi %mul3A_9, %add3A_12 : i32
    "tpu.region"() ({
      %run_scoped3A = tpu.sem_alloc : memref<!tpu.dma_semaphore, #tpu.memory_space<semaphore_mem>>
      %dma_start3A = arith.constant 0 : i32
      %dma_start3A_31 = tpu.memref_slice %arg16[%add3A_13, %dma_start3A] : memref<10240x128xf32, #tpu.memory_space<vmem_shared>> -> memref<128x128xf32, #tpu.memory_space<vmem_shared>>
      %dma_start3A_32 = arith.constant 0 : i32
      %dma_start3A_33 = tpu.memref_slice %arg16[%add3A_13, %dma_start3A_32] : memref<10240x128xf32, #tpu.memory_space<vmem_shared>> -> memref<128x128xf32, #tpu.memory_space<vmem_shared>>
      tpu.enqueue_dma source(%arg14 : memref<128x128xf32, #tpu.memory_space<vmem>>) target(%dma_start3A_33 : memref<128x128xf32, #tpu.memory_space<vmem_shared>>) target_semaphore(%run_scoped3A : memref<!tpu.dma_semaphore, #tpu.memory_space<semaphore_mem>>)
      %dma_wait3A = arith.constant 0 : i32
      %dma_wait3A_34 = tpu.memref_slice %arg16[%add3A_13, %dma_wait3A] : memref<10240x128xf32, #tpu.memory_space<vmem_shared>> -> memref<128x128xf32, #tpu.memory_space<vmem_shared>>
      %dma_wait3A_35 = arith.constant 0 : i32
      %dma_wait3A_36 = tpu.memref_slice %arg16[%add3A_13, %dma_wait3A_35] : memref<10240x128xf32, #tpu.memory_space<vmem_shared>> -> memref<128x128xf32, #tpu.memory_space<vmem_shared>>
      tpu.wait_dma2 semaphore(%run_scoped3A : memref<!tpu.dma_semaphore, #tpu.memory_space<semaphore_mem>>) src(%arg14 : memref<128x128xf32, #tpu.memory_space<vmem>>) dst(%dma_wait3A_36 : memref<128x128xf32, #tpu.memory_space<vmem_shared>>)
      tpu.yield
    }) : () -> ()
    %add3A_14 = arith.constant 256 : i32
    %add3A_15 = arith.addi %mul3A_9, %add3A_14 : i32
    "tpu.region"() ({
      %run_scoped3A = tpu.sem_alloc : memref<!tpu.dma_semaphore, #tpu.memory_space<semaphore_mem>>
      %dma_start3A = arith.constant 0 : i32
      %dma_start3A_31 = tpu.memref_slice %arg16[%add3A_15, %dma_start3A] : memref<10240x128xf32, #tpu.memory_space<vmem_shared>> -> memref<128x128xf32, #tpu.memory_space<vmem_shared>>
      %dma_start3A_32 = arith.constant 0 : i32
      %dma_start3A_33 = tpu.memref_slice %arg16[%add3A_15, %dma_start3A_32] : memref<10240x128xf32, #tpu.memory_space<vmem_shared>> -> memref<128x128xf32, #tpu.memory_space<vmem_shared>>
      tpu.enqueue_dma source(%arg14 : memref<128x128xf32, #tpu.memory_space<vmem>>) target(%dma_start3A_33 : memref<128x128xf32, #tpu.memory_space<vmem_shared>>) target_semaphore(%run_scoped3A : memref<!tpu.dma_semaphore, #tpu.memory_space<semaphore_mem>>)
      %dma_wait3A = arith.constant 0 : i32
      %dma_wait3A_34 = tpu.memref_slice %arg16[%add3A_15, %dma_wait3A] : memref<10240x128xf32, #tpu.memory_space<vmem_shared>> -> memref<128x128xf32, #tpu.memory_space<vmem_shared>>
      %dma_wait3A_35 = arith.constant 0 : i32
      %dma_wait3A_36 = tpu.memref_slice %arg16[%add3A_15, %dma_wait3A_35] : memref<10240x128xf32, #tpu.memory_space<vmem_shared>> -> memref<128x128xf32, #tpu.memory_space<vmem_shared>>
      tpu.wait_dma2 semaphore(%run_scoped3A : memref<!tpu.dma_semaphore, #tpu.memory_space<semaphore_mem>>) src(%arg14 : memref<128x128xf32, #tpu.memory_space<vmem>>) dst(%dma_wait3A_36 : memref<128x128xf32, #tpu.memory_space<vmem_shared>>)
      tpu.yield
    }) : () -> ()
    %add3A_16 = arith.constant 384 : i32
    %add3A_17 = arith.addi %mul3A_9, %add3A_16 : i32
    "tpu.region"() ({
      %run_scoped3A = tpu.sem_alloc : memref<!tpu.dma_semaphore, #tpu.memory_space<semaphore_mem>>
      %dma_start3A = arith.constant 0 : i32
      %dma_start3A_31 = tpu.memref_slice %arg16[%add3A_17, %dma_start3A] : memref<10240x128xf32, #tpu.memory_space<vmem_shared>> -> memref<128x128xf32, #tpu.memory_space<vmem_shared>>
      %dma_start3A_32 = arith.constant 0 : i32
      %dma_start3A_33 = tpu.memref_slice %arg16[%add3A_17, %dma_start3A_32] : memref<10240x128xf32, #tpu.memory_space<vmem_shared>> -> memref<128x128xf32, #tpu.memory_space<vmem_shared>>
      tpu.enqueue_dma source(%arg14 : memref<128x128xf32, #tpu.memory_space<vmem>>) target(%dma_start3A_33 : memref<128x128xf32, #tpu.memory_space<vmem_shared>>) target_semaphore(%run_scoped3A : memref<!tpu.dma_semaphore, #tpu.memory_space<semaphore_mem>>)
      %dma_wait3A = arith.constant 0 : i32
      %dma_wait3A_34 = tpu.memref_slice %arg16[%add3A_17, %dma_wait3A] : memref<10240x128xf32, #tpu.memory_space<vmem_shared>> -> memref<128x128xf32, #tpu.memory_space<vmem_shared>>
      %dma_wait3A_35 = arith.constant 0 : i32
      %dma_wait3A_36 = tpu.memref_slice %arg16[%add3A_17, %dma_wait3A_35] : memref<10240x128xf32, #tpu.memory_space<vmem_shared>> -> memref<128x128xf32, #tpu.memory_space<vmem_shared>>
      tpu.wait_dma2 semaphore(%run_scoped3A : memref<!tpu.dma_semaphore, #tpu.memory_space<semaphore_mem>>) src(%arg14 : memref<128x128xf32, #tpu.memory_space<vmem>>) dst(%dma_wait3A_36 : memref<128x128xf32, #tpu.memory_space<vmem_shared>>)
      tpu.yield
    }) : () -> ()
    %add3A_18 = arith.constant 512 : i32
    %add3A_19 = arith.addi %mul3A_9, %add3A_18 : i32
    "tpu.region"() ({
      %run_scoped3A = tpu.sem_alloc : memref<!tpu.dma_semaphore, #tpu.memory_space<semaphore_mem>>
      %dma_start3A = arith.constant 0 : i32
      %dma_start3A_31 = tpu.memref_slice %arg16[%add3A_19, %dma_start3A] : memref<10240x128xf32, #tpu.memory_space<vmem_shared>> -> memref<128x128xf32, #tpu.memory_space<vmem_shared>>
      %dma_start3A_32 = arith.constant 0 : i32
      %dma_start3A_33 = tpu.memref_slice %arg16[%add3A_19, %dma_start3A_32] : memref<10240x128xf32, #tpu.memory_space<vmem_shared>> -> memref<128x128xf32, #tpu.memory_space<vmem_shared>>
      tpu.enqueue_dma source(%arg14 : memref<128x128xf32, #tpu.memory_space<vmem>>) target(%dma_start3A_33 : memref<128x128xf32, #tpu.memory_space<vmem_shared>>) target_semaphore(%run_scoped3A : memref<!tpu.dma_semaphore, #tpu.memory_space<semaphore_mem>>)
      %dma_wait3A = arith.constant 0 : i32
      %dma_wait3A_34 = tpu.memref_slice %arg16[%add3A_19, %dma_wait3A] : memref<10240x128xf32, #tpu.memory_space<vmem_shared>> -> memref<128x128xf32, #tpu.memory_space<vmem_shared>>
      %dma_wait3A_35 = arith.constant 0 : i32
      %dma_wait3A_36 = tpu.memref_slice %arg16[%add3A_19, %dma_wait3A_35] : memref<10240x128xf32, #tpu.memory_space<vmem_shared>> -> memref<128x128xf32, #tpu.memory_space<vmem_shared>>
      tpu.wait_dma2 semaphore(%run_scoped3A : memref<!tpu.dma_semaphore, #tpu.memory_space<semaphore_mem>>) src(%arg14 : memref<128x128xf32, #tpu.memory_space<vmem>>) dst(%dma_wait3A_36 : memref<128x128xf32, #tpu.memory_space<vmem_shared>>)
      tpu.yield
    }) : () -> ()
    %barrier3A = arith.constant 0 : index
    tpu.barrier barrier_id(%barrier3A)
    %get3A = arith.constant 0 : index
    %get3A_20 = tpu.vector_load %arg15[%get3A] {strides = array<i32>} : memref<16xf32, #tpu.memory_space<vmem>>, vector<16xf32>,
    %mul3A_21 = arith.constant 10112 : i32
    %mul3A_22 = arith.muli %add3A, %mul3A_21 : i32
    %scan3A_23 = arith.constant 0 : i32
    %scan3A_24 = arith.constant 0 : i32
    %scan3A_25 = arith.constant 79 : i32
    %scan3A_26 = arith.addi %scan3A_24, %scan3A_25 : i32
    %scan3A_27 = arith.constant 1 : i32
    %scan3A_28 = scf.for %scan3A_31 = %scan3A_24 to %scan3A_26 step %scan3A_27 iter_args(%scan3A_32 = %scan3A_23) -> (i32)  : i32 {
      %mul3A_33 = arith.constant 128 : i32
      %mul3A_34 = arith.muli %scan3A_31, %mul3A_33 : i32
      %add3A_35 = arith.addi %mul3A_22, %mul3A_34 : i32
      "tpu.region"() ({
        %run_scoped3A = tpu.sem_alloc : memref<!tpu.dma_semaphore, #tpu.memory_space<semaphore_mem>>
        %dma_start3A_55 = tpu.memref_slice %arg5[%add3A_35] : memref<323584xi32, #tpu.memory_space<hbm>> -> memref<128xi32, #tpu.memory_space<hbm>>
        %dma_start3A_56 = tpu.memref_slice %arg5[%add3A_35] : memref<323584xi32, #tpu.memory_space<hbm>> -> memref<128xi32, #tpu.memory_space<hbm>>
        tpu.enqueue_dma source(%dma_start3A_56 : memref<128xi32, #tpu.memory_space<hbm>>) target(%arg11 : memref<128xi32, #tpu.memory_space<vmem>>) target_semaphore(%run_scoped3A : memref<!tpu.dma_semaphore, #tpu.memory_space<semaphore_mem>>)
        %dma_wait3A_57 = tpu.memref_slice %arg5[%add3A_35] : memref<323584xi32, #tpu.memory_space<hbm>> -> memref<128xi32, #tpu.memory_space<hbm>>
        %dma_wait3A_58 = tpu.memref_slice %arg5[%add3A_35] : memref<323584xi32, #tpu.memory_space<hbm>> -> memref<128xi32, #tpu.memory_space<hbm>>
        tpu.wait_dma2 semaphore(%run_scoped3A : memref<!tpu.dma_semaphore, #tpu.memory_space<semaphore_mem>>) src(%dma_wait3A_58 : memref<128xi32, #tpu.memory_space<hbm>>) dst(%arg11 : memref<128xi32, #tpu.memory_space<vmem>>)
        tpu.yield
      }) : () -> ()
      "tpu.region"() ({
        %run_scoped3A = tpu.sem_alloc : memref<!tpu.dma_semaphore, #tpu.memory_space<semaphore_mem>>
        %dma_start3A_55 = tpu.memref_slice %arg6[%add3A_35] : memref<323584xi32, #tpu.memory_space<hbm>> -> memref<128xi32, #tpu.memory_space<hbm>>
        %dma_start3A_56 = tpu.memref_slice %arg6[%add3A_35] : memref<323584xi32, #tpu.memory_space<hbm>> -> memref<128xi32, #tpu.memory_space<hbm>>
        tpu.enqueue_dma source(%dma_start3A_56 : memref<128xi32, #tpu.memory_space<hbm>>) target(%arg12 : memref<128xi32, #tpu.memory_space<vmem>>) target_semaphore(%run_scoped3A : memref<!tpu.dma_semaphore, #tpu.memory_space<semaphore_mem>>)
        %dma_wait3A_57 = tpu.memref_slice %arg6[%add3A_35] : memref<323584xi32, #tpu.memory_space<hbm>> -> memref<128xi32, #tpu.memory_space<hbm>>
        %dma_wait3A_58 = tpu.memref_slice %arg6[%add3A_35] : memref<323584xi32, #tpu.memory_space<hbm>> -> memref<128xi32, #tpu.memory_space<hbm>>
        tpu.wait_dma2 semaphore(%run_scoped3A : memref<!tpu.dma_semaphore, #tpu.memory_space<semaphore_mem>>) src(%dma_wait3A_58 : memref<128xi32, #tpu.memory_space<hbm>>) dst(%arg12 : memref<128xi32, #tpu.memory_space<vmem>>)
        tpu.yield
      }) : () -> ()
      %dma_start3A = arith.constant 0 : i32
      %dma_start3A_36 = arith.constant 0 : i32
      %dma_start3A_37 = tpu.memref_slice %arg2[%dma_start3A, %dma_start3A_36] : memref<10240x128xf32, #tpu.memory_space<hbm>> -> memref<10240x128xf32, #tpu.memory_space<hbm>>
      tpu.enqueue_indirect_dma source(%dma_start3A_37 : memref<10240x128xf32, #tpu.memory_space<hbm>>) target(%arg14 : memref<128x128xf32, #tpu.memory_space<vmem>>) offsets(%arg11 : memref<128xi32, #tpu.memory_space<vmem>>) semaphore(%arg17 : memref<!tpu.dma_semaphore, #tpu.memory_space<semaphore_mem>>)
      %scan3A_38 = arith.constant 0 : i32
      %scan3A_39 = arith.constant 0 : i32
      %scan3A_40 = arith.constant 8 : i32
      %scan3A_41 = arith.addi %scan3A_39, %scan3A_40 : i32
      %scan3A_42 = arith.constant 1 : i32
      %scan3A_43 = scf.for %scan3A_55 = %scan3A_39 to %scan3A_41 step %scan3A_42 iter_args(%scan3A_56 = %scan3A_38) -> (i32)  : i32 {
        %mul3A_57 = arith.constant 16 : i32
        %mul3A_58 = arith.muli %scan3A_55, %mul3A_57 : i32
        %get3A_59 = arith.index_cast %mul3A_58 : i32 to index
        %get3A_60 = tpu.vector_load %arg11[%get3A_59] {strides = array<i32>} : memref<128xi32, #tpu.memory_space<vmem>>, vector<16xi32>,
        %mul3A_61 = arith.constant 16 : i32
        %mul3A_62 = arith.muli %scan3A_55, %mul3A_61 : i32
        %get3A_63 = arith.index_cast %mul3A_62 : i32 to index
        %get3A_64 = tpu.vector_load %arg12[%get3A_63] {strides = array<i32>} : memref<128xi32, #tpu.memory_space<vmem>>, vector<16xi32>,
        %gather3A = tpu.vector_load_idx %arg9[%get3A_60] : memref<10240xf32, #tpu.memory_space<vmem>>[vector<16xi32>], vector<16xf32>,
        %gather3A_65 = tpu.vector_load_idx %arg10[%get3A_64] : memref<10240xf32, #tpu.memory_space<vmem>>[vector<16xi32>], vector<16xf32>,
        %add3A_66 = arith.addf %gather3A, %gather3A_65 : vector<16xf32>
        %ge3A = arith.constant 0.000000e+00 : f32
        %ge3A_67 = vector.broadcast %ge3A : f32 to vector<16xf32>
        %ge3A_68 = arith.cmpf oge, %add3A_66, %ge3A_67 : vector<16xf32>
        %mul3A_69 = arith.constant 2.000000e-01 : f32
        %mul3A_70 = vector.broadcast %mul3A_69 : f32 to vector<16xf32>
        %mul3A_71 = arith.mulf %mul3A_70, %add3A_66 : vector<16xf32>
        %select_n3A = arith.select %ge3A_68, %add3A_66, %mul3A_71 : vector<16xi1>, vector<16xf32>
        %sub3A = arith.subf %select_n3A, %get3A_20 : vector<16xf32>
        %exp3A = math.exp %sub3A : vector<16xf32>
        %mul3A_72 = arith.constant 16 : i32
        %mul3A_73 = arith.muli %scan3A_55, %mul3A_72 : i32
        %swap3A = arith.index_cast %mul3A_73 : i32 to index
        %swap3A_74 = tpu.vector_load %arg13[%swap3A] {strides = array<i32>} : memref<128xf32, #tpu.memory_space<vmem>>, vector<16xf32>,
        tpu.vector_store %arg13[%swap3A], %exp3A {strides = array<i32>} : memref<128xf32, #tpu.memory_space<vmem>>, vector<16xf32>,
        %scan3A_75 = arith.constant 0 : i32
        scf.yield %scan3A_75 : i32
      }
      %scan3A_44 = arith.constant 8 : i32
      %dma_wait3A = arith.constant 0 : i32
      %dma_wait3A_45 = arith.constant 0 : i32
      %dma_wait3A_46 = tpu.memref_slice %arg2[%dma_wait3A, %dma_wait3A_45] : memref<10240x128xf32, #tpu.memory_space<hbm>> -> memref<10240x128xf32, #tpu.memory_space<hbm>>
      tpu.wait_indirect_dma semaphore(%arg17 : memref<!tpu.dma_semaphore, #tpu.memory_space<semaphore_mem>>) src(%dma_wait3A_46 : memref<10240x128xf32, #tpu.memory_space<hbm>>) dst(%arg14 : memref<128x128xf32, #tpu.memory_space<vmem>>)
      %scan3A_47 = arith.constant 0 : i32
      %scan3A_48 = arith.constant 0 : i32
      %scan3A_49 = arith.constant 128 : i32
      %scan3A_50 = arith.addi %scan3A_48, %scan3A_49 : i32
      %scan3A_51 = arith.constant 1 : i32
      %scan3A_52 = scf.for %scan3A_55 = %scan3A_48 to %scan3A_50 step %scan3A_51 iter_args(%scan3A_56 = %scan3A_47) -> (i32)  : i32 {
        %broadcast_in_dim3A_57 = vector.broadcast %scan3A_55 : i32 to vector<16xi32>
        %gather3A = tpu.vector_load_idx %arg13[%broadcast_in_dim3A_57] : memref<128xf32, #tpu.memory_space<vmem>>[vector<16xi32>], vector<16xf32>,
        %get3A_58 = arith.index_cast %scan3A_55 : i32 to index
        %get3A_59 = arith.constant 0 : index
        %get3A_60 = tpu.vector_load %arg14[%get3A_58, %get3A_59] {strides = array<i32>} : memref<128x128xf32, #tpu.memory_space<vmem>>, vector<16xf32>,
        %mul3A_61 = arith.mulf %get3A_60, %gather3A : vector<16xf32>
        %swap3A = arith.index_cast %scan3A_55 : i32 to index
        %swap3A_62 = arith.constant 0 : index
        %swap3A_63 = tpu.vector_load %arg14[%swap3A, %swap3A_62] {strides = array<i32>} : memref<128x128xf32, #tpu.memory_space<vmem>>, vector<16xf32>,
        tpu.vector_store %arg14[%swap3A, %swap3A_62], %mul3A_61 {strides = array<i32>} : memref<128x128xf32, #tpu.memory_space<vmem>>, vector<16xf32>,
        %get3A_64 = arith.index_cast %scan3A_55 : i32 to index
        %get3A_65 = arith.constant 16 : index
        %get3A_66 = tpu.vector_load %arg14[%get3A_64, %get3A_65] {strides = array<i32>} : memref<128x128xf32, #tpu.memory_space<vmem>>, vector<16xf32>,
        %mul3A_67 = arith.mulf %get3A_66, %gather3A : vector<16xf32>
        %swap3A_68 = arith.index_cast %scan3A_55 : i32 to index
        %swap3A_69 = arith.constant 16 : index
        %swap3A_70 = tpu.vector_load %arg14[%swap3A_68, %swap3A_69] {strides = array<i32>} : memref<128x128xf32, #tpu.memory_space<vmem>>, vector<16xf32>,
        tpu.vector_store %arg14[%swap3A_68, %swap3A_69], %mul3A_67 {strides = array<i32>} : memref<128x128xf32, #tpu.memory_space<vmem>>, vector<16xf32>,
        %get3A_71 = arith.index_cast %scan3A_55 : i32 to index
        %get3A_72 = arith.constant 32 : index
        %get3A_73 = tpu.vector_load %arg14[%get3A_71, %get3A_72] {strides = array<i32>} : memref<128x128xf32, #tpu.memory_space<vmem>>, vector<16xf32>,
        %mul3A_74 = arith.mulf %get3A_73, %gather3A : vector<16xf32>
        %swap3A_75 = arith.index_cast %scan3A_55 : i32 to index
        %swap3A_76 = arith.constant 32 : index
        %swap3A_77 = tpu.vector_load %arg14[%swap3A_75, %swap3A_76] {strides = array<i32>} : memref<128x128xf32, #tpu.memory_space<vmem>>, vector<16xf32>,
        tpu.vector_store %arg14[%swap3A_75, %swap3A_76], %mul3A_74 {strides = array<i32>} : memref<128x128xf32, #tpu.memory_space<vmem>>, vector<16xf32>,
        %get3A_78 = arith.index_cast %scan3A_55 : i32 to index
        %get3A_79 = arith.constant 48 : index
        %get3A_80 = tpu.vector_load %arg14[%get3A_78, %get3A_79] {strides = array<i32>} : memref<128x128xf32, #tpu.memory_space<vmem>>, vector<16xf32>,
        %mul3A_81 = arith.mulf %get3A_80, %gather3A : vector<16xf32>
        %swap3A_82 = arith.index_cast %scan3A_55 : i32 to index
        %swap3A_83 = arith.constant 48 : index
        %swap3A_84 = tpu.vector_load %arg14[%swap3A_82, %swap3A_83] {strides = array<i32>} : memref<128x128xf32, #tpu.memory_space<vmem>>, vector<16xf32>,
        tpu.vector_store %arg14[%swap3A_82, %swap3A_83], %mul3A_81 {strides = array<i32>} : memref<128x128xf32, #tpu.memory_space<vmem>>, vector<16xf32>,
        %get3A_85 = arith.index_cast %scan3A_55 : i32 to index
        %get3A_86 = arith.constant 64 : index
        %get3A_87 = tpu.vector_load %arg14[%get3A_85, %get3A_86] {strides = array<i32>} : memref<128x128xf32, #tpu.memory_space<vmem>>, vector<16xf32>,
        %mul3A_88 = arith.mulf %get3A_87, %gather3A : vector<16xf32>
        %swap3A_89 = arith.index_cast %scan3A_55 : i32 to index
        %swap3A_90 = arith.constant 64 : index
        %swap3A_91 = tpu.vector_load %arg14[%swap3A_89, %swap3A_90] {strides = array<i32>} : memref<128x128xf32, #tpu.memory_space<vmem>>, vector<16xf32>,
        tpu.vector_store %arg14[%swap3A_89, %swap3A_90], %mul3A_88 {strides = array<i32>} : memref<128x128xf32, #tpu.memory_space<vmem>>, vector<16xf32>,
        %scan3A_92 = arith.constant 0 : i32
        scf.yield %scan3A_92 : i32
      }
      %scan3A_53 = arith.constant 128 : i32
      "tpu.region"() ({
        %run_scoped3A = tpu.sem_alloc : memref<!tpu.dma_semaphore, #tpu.memory_space<semaphore_mem>>
        %dma_start3A_55 = arith.constant 0 : i32
        %dma_start3A_56 = arith.constant 0 : i32
        %dma_start3A_57 = tpu.memref_slice %arg16[%dma_start3A_55, %dma_start3A_56] : memref<10240x128xf32, #tpu.memory_space<vmem_shared>> -> memref<10240x128xf32, #tpu.memory_space<vmem_shared>>
        tpu.enqueue_indirect_dma source(%arg14 : memref<128x128xf32, #tpu.memory_space<vmem>>) target(%dma_start3A_57 : memref<10240x128xf32, #tpu.memory_space<vmem_shared>>) offsets(%arg12 : memref<128xi32, #tpu.memory_space<vmem>>) semaphore(%run_scoped3A : memref<!tpu.dma_semaphore, #tpu.memory_space<semaphore_mem>>) {add = true}
        %dma_wait3A_58 = arith.constant 0 : i32
        %dma_wait3A_59 = arith.constant 0 : i32
        %dma_wait3A_60 = tpu.memref_slice %arg16[%dma_wait3A_58, %dma_wait3A_59] : memref<10240x128xf32, #tpu.memory_space<vmem_shared>> -> memref<10240x128xf32, #tpu.memory_space<vmem_shared>>
        tpu.wait_indirect_dma semaphore(%run_scoped3A : memref<!tpu.dma_semaphore, #tpu.memory_space<semaphore_mem>>) src(%arg14 : memref<128x128xf32, #tpu.memory_space<vmem>>) dst(%dma_wait3A_60 : memref<10240x128xf32, #tpu.memory_space<vmem_shared>>)
        tpu.yield
      }) : () -> ()
      %scan3A_54 = arith.constant 0 : i32
      scf.yield %scan3A_54 : i32
    }
    %scan3A_29 = arith.constant 79 : i32
    %barrier3A_30 = arith.constant 0 : index
    tpu.barrier barrier_id(%barrier3A_30)
    "tpu.region"() ({
      %run_scoped3A = tpu.sem_alloc : memref<!tpu.dma_semaphore, #tpu.memory_space<semaphore_mem>>
      %dma_start3A = arith.constant 0 : i32
      %dma_start3A_31 = tpu.memref_slice %arg8[%arg0, %mul3A_9, %dma_start3A] : memref<2x10240x128xf32, #tpu.memory_space<hbm>> -> memref<1x640x128xf32, #tpu.memory_space<hbm>>
      %dma_start3A_32 = tpu.memref_squeeze %dma_start3A_31 : memref<1x640x128xf32, #tpu.memory_space<hbm>> -> memref<640x128xf32, #tpu.memory_space<hbm>>
      %dma_start3A_33 = arith.constant 0 : i32
      %dma_start3A_34 = tpu.memref_slice %arg16[%mul3A_9, %dma_start3A_33] : memref<10240x128xf32, #tpu.memory_space<vmem_shared>> -> memref<640x128xf32, #tpu.memory_space<vmem_shared>>
      tpu.enqueue_dma source(%dma_start3A_34 : memref<640x128xf32, #tpu.memory_space<vmem_shared>>) target(%dma_start3A_32 : memref<640x128xf32, #tpu.memory_space<hbm>>) target_semaphore(%run_scoped3A : memref<!tpu.dma_semaphore, #tpu.memory_space<semaphore_mem>>)
      %dma_wait3A = arith.constant 0 : i32
      %dma_wait3A_35 = tpu.memref_slice %arg8[%arg0, %mul3A_9, %dma_wait3A] : memref<2x10240x128xf32, #tpu.memory_space<hbm>> -> memref<1x640x128xf32, #tpu.memory_space<hbm>>
      %dma_wait3A_36 = tpu.memref_squeeze %dma_wait3A_35 : memref<1x640x128xf32, #tpu.memory_space<hbm>> -> memref<640x128xf32, #tpu.memory_space<hbm>>
      %dma_wait3A_37 = arith.constant 0 : i32
      %dma_wait3A_38 = tpu.memref_slice %arg16[%mul3A_9, %dma_wait3A_37] : memref<10240x128xf32, #tpu.memory_space<vmem_shared>> -> memref<640x128xf32, #tpu.memory_space<vmem_shared>>
      tpu.wait_dma2 semaphore(%run_scoped3A : memref<!tpu.dma_semaphore, #tpu.memory_space<semaphore_mem>>) src(%dma_wait3A_38 : memref<640x128xf32, #tpu.memory_space<vmem_shared>>) dst(%dma_wait3A_36 : memref<640x128xf32, #tpu.memory_space<hbm>>)
      tpu.yield
    }) : () -> ()
    return
  }
}

module attributes {stable_mosaic.version = 14 : i64} {
  func.func @_enc_body(%arg0: i32, %arg1: memref<1024x128xf32, #tpu.memory_space<vmem>>, %arg2: memref<128x64xf32, #tpu.memory_space<vmem>>, %arg3: memref<1x64xf32, #tpu.memory_space<vmem>>, %arg4: memref<1x64xf32, #tpu.memory_space<vmem>>, %arg5: memref<1024x128xf32, #tpu.memory_space<vmem>>, %arg6: memref<1024x1xf32, #tpu.memory_space<vmem>>, %arg7: memref<1024x1xf32, #tpu.memory_space<vmem>>, %arg8: memref<8x128xf32, #tpu.memory_space<vmem>>, %arg9: memref<2xf32, #tpu.memory_space<smem>>) attributes {dimension_semantics = [#tpu.dimension_semantics<arbitrary>], iteration_bounds = array<i64: 10>, scalar_prefetch = 0 : i64, scratch_operands = 1 : i64, tpu.core_type = #tpu.core_type<tc>, window_params = [{transform_indices = @transform_0, window_bounds = array<i64: 1024, 128>}, {pipeline_mode = #tpu.pipeline_mode<synchronous>, transform_indices = @transform_1, window_bounds = array<i64: 128, 64>}, {pipeline_mode = #tpu.pipeline_mode<synchronous>, transform_indices = @transform_2, window_bounds = array<i64: 1, 64>}, {pipeline_mode = #tpu.pipeline_mode<synchronous>, transform_indices = @transform_3, window_bounds = array<i64: 1, 64>}, {transform_indices = @transform_4, window_bounds = array<i64: 1024, 128>}, {transform_indices = @transform_5, window_bounds = array<i64: 1024, 1>}, {transform_indices = @transform_6, window_bounds = array<i64: 1024, 1>}, {pipeline_mode = #tpu.pipeline_mode<synchronous>, transform_indices = @transform_7, window_bounds = array<i64: 8, 128>}]} {
    %get3A = arith.constant 0 : index
    %get3A_0 = arith.constant 0 : index
    %get3A_1 = vector.load %arg1[%get3A, %get3A_0] : memref<1024x128xf32, #tpu.memory_space<vmem>>, vector<1024x128xf32>
    %get3A_2 = arith.constant 0 : index
    %get3A_3 = arith.constant 0 : index
    %get3A_4 = vector.load %arg2[%get3A_2, %get3A_3] : memref<128x64xf32, #tpu.memory_space<vmem>>, vector<128x64xf32>
    %dot_general3A = arith.constant dense<0.000000e+00> : vector<1024x64xf32>
    %dot_general3A_5 = tpu.matmul %get3A_1, %get3A_4, %dot_general3A {dimension_numbers = #tpu.dot_dimension_numbers<[1], [0], [0], [1], [0, 0, 1, 1], [], []>, transpose_lhs_hint = false} : vector<1024x128xf32>, vector<128x64xf32>, vector<1024x64xf32> -> vector<1024x64xf32>
    %broadcast_in_dim3A = arith.constant 1.000000e+00 : f32
    %broadcast_in_dim3A_6 = vector.broadcast %broadcast_in_dim3A : f32 to vector<1024x1xf32>
    %broadcast_in_dim3A_7 = arith.constant 0.000000e+00 : f32
    %broadcast_in_dim3A_8 = vector.broadcast %broadcast_in_dim3A_7 : f32 to vector<1024x63xf32>
    %concatenate3A = tpu.concatenate %dot_general3A_5, %broadcast_in_dim3A_6, %broadcast_in_dim3A_8 in 1 : vector<1024x64xf32>, vector<1024x1xf32>, vector<1024x63xf32> -> vector<1024x128xf32>
    %swap3A = arith.constant 0 : index
    %swap3A_9 = arith.constant 0 : index
    %swap3A_10 = vector.load %arg5[%swap3A, %swap3A_9] : memref<1024x128xf32, #tpu.memory_space<vmem>>, vector<1024x128xf32>
    tpu.vector_store %arg5[%swap3A, %swap3A_9], %concatenate3A {strides = array<i32>} : memref<1024x128xf32, #tpu.memory_space<vmem>>, vector<1024x128xf32>,
    %get3A_11 = arith.constant 0 : index
    %get3A_12 = arith.constant 0 : index
    %get3A_13 = vector.load %arg3[%get3A_11, %get3A_12] : memref<1x64xf32, #tpu.memory_space<vmem>>, vector<1x64xf32>
    %mul3A = vector.broadcast %get3A_13 : vector<1x64xf32> to vector<1024x64xf32>
    %mul3A_14 = arith.mulf %dot_general3A_5, %mul3A : vector<1024x64xf32>
    %reduce_sum3A = arith.constant dense<0.000000e+00> : vector<1024xf32>
    %reduce_sum3A_15 = vector.multi_reduction <add>, %mul3A_14, %reduce_sum3A [1] : vector<1024x64xf32> to vector<1024xf32>
    %broadcast_in_dim3A_16 = vector.shape_cast %reduce_sum3A_15 : vector<1024xf32> to vector<1024x1xf32>
    %get3A_17 = arith.constant 0 : index
    %get3A_18 = arith.constant 0 : index
    %get3A_19 = vector.load %arg4[%get3A_17, %get3A_18] : memref<1x64xf32, #tpu.memory_space<vmem>>, vector<1x64xf32>
    %mul3A_20 = vector.broadcast %get3A_19 : vector<1x64xf32> to vector<1024x64xf32>
    %mul3A_21 = arith.mulf %dot_general3A_5, %mul3A_20 : vector<1024x64xf32>
    %reduce_sum3A_22 = arith.constant dense<0.000000e+00> : vector<1024xf32>
    %reduce_sum3A_23 = vector.multi_reduction <add>, %mul3A_21, %reduce_sum3A_22 [1] : vector<1024x64xf32> to vector<1024xf32>
    %broadcast_in_dim3A_24 = vector.shape_cast %reduce_sum3A_23 : vector<1024xf32> to vector<1024x1xf32>
    %swap3A_25 = arith.constant 0 : index
    %swap3A_26 = arith.constant 0 : index
    %swap3A_27 = vector.load %arg6[%swap3A_25, %swap3A_26] : memref<1024x1xf32, #tpu.memory_space<vmem>>, vector<1024x1xf32>
    tpu.vector_store %arg6[%swap3A_25, %swap3A_26], %broadcast_in_dim3A_16 {strides = array<i32>} : memref<1024x1xf32, #tpu.memory_space<vmem>>, vector<1024x1xf32>,
    %swap3A_28 = arith.constant 0 : index
    %swap3A_29 = arith.constant 0 : index
    %swap3A_30 = vector.load %arg7[%swap3A_28, %swap3A_29] : memref<1024x1xf32, #tpu.memory_space<vmem>>, vector<1024x1xf32>
    tpu.vector_store %arg7[%swap3A_28, %swap3A_29], %broadcast_in_dim3A_24 {strides = array<i32>} : memref<1024x1xf32, #tpu.memory_space<vmem>>, vector<1024x1xf32>,
    %eq3A = arith.constant 0 : i32
    %eq3A_31 = arith.cmpi eq, %arg0, %eq3A : i32
    %convert_element_type3A = arith.extui %eq3A_31 : i1 to i32
    %cond3A = arith.constant 0 : i32
    %cond3A_32 = arith.cmpi ne, %convert_element_type3A, %cond3A : i32
    scf.if %cond3A_32 {
      %swap3A_56 = arith.constant 0xFF800000 : f32
      %swap3A_57 = arith.constant 0 : index
      %swap3A_58 = memref.load %arg9[%swap3A_57] : memref<2xf32, #tpu.memory_space<smem>>
      memref.store %swap3A_56, %arg9[%swap3A_57] : memref<2xf32, #tpu.memory_space<smem>>
      %swap3A_59 = arith.constant 0xFF800000 : f32
      %swap3A_60 = arith.constant 1 : index
      %swap3A_61 = memref.load %arg9[%swap3A_60] : memref<2xf32, #tpu.memory_space<smem>>
      memref.store %swap3A_59, %arg9[%swap3A_60] : memref<2xf32, #tpu.memory_space<smem>>
    } else {
    }
    %get3A_33 = arith.constant 0 : index
    %get3A_34 = memref.load %arg9[%get3A_33] : memref<2xf32, #tpu.memory_space<smem>>
    %reduce_max3A = vector.shape_cast %broadcast_in_dim3A_16 : vector<1024x1xf32> to vector<1x1024x1xf32>
    %reduce_max3A_35 = arith.constant dense<0xFF800000> : vector<1xf32>
    %reduce_max3A_36 = vector.multi_reduction <maximumf>, %reduce_max3A, %reduce_max3A_35 [1, 2] : vector<1x1024x1xf32> to vector<1xf32>
    %reduce_max3A_37 = vector.shape_cast %reduce_max3A_36 : vector<1xf32> to vector<1x1x1xf32>
    %reduce_max3A_38 = vector.extract %reduce_max3A_37[0, 0, 0] : f32 from vector<1x1x1xf32>
    %max3A = arith.maximumf %get3A_34, %reduce_max3A_38 : f32
    %swap3A_39 = arith.constant 0 : index
    %swap3A_40 = memref.load %arg9[%swap3A_39] : memref<2xf32, #tpu.memory_space<smem>>
    memref.store %max3A, %arg9[%swap3A_39] : memref<2xf32, #tpu.memory_space<smem>>
    %get3A_41 = arith.constant 1 : index
    %get3A_42 = memref.load %arg9[%get3A_41] : memref<2xf32, #tpu.memory_space<smem>>
    %reduce_max3A_43 = vector.shape_cast %broadcast_in_dim3A_24 : vector<1024x1xf32> to vector<1x1024x1xf32>
    %reduce_max3A_44 = arith.constant dense<0xFF800000> : vector<1xf32>
    %reduce_max3A_45 = vector.multi_reduction <maximumf>, %reduce_max3A_43, %reduce_max3A_44 [1, 2] : vector<1x1024x1xf32> to vector<1xf32>
    %reduce_max3A_46 = vector.shape_cast %reduce_max3A_45 : vector<1xf32> to vector<1x1x1xf32>
    %reduce_max3A_47 = vector.extract %reduce_max3A_46[0, 0, 0] : f32 from vector<1x1x1xf32>
    %max3A_48 = arith.maximumf %get3A_42, %reduce_max3A_47 : f32
    %swap3A_49 = arith.constant 1 : index
    %swap3A_50 = memref.load %arg9[%swap3A_49] : memref<2xf32, #tpu.memory_space<smem>>
    memref.store %max3A_48, %arg9[%swap3A_49] : memref<2xf32, #tpu.memory_space<smem>>
    %eq3A_51 = arith.constant 9 : i32
    %eq3A_52 = arith.cmpi eq, %arg0, %eq3A_51 : i32
    %convert_element_type3A_53 = arith.extui %eq3A_52 : i1 to i32
    %cond3A_54 = arith.constant 0 : i32
    %cond3A_55 = arith.cmpi ne, %convert_element_type3A_53, %cond3A_54 : i32
    scf.if %cond3A_55 {
      %get3A_56 = arith.constant 0 : index
      %get3A_57 = memref.load %arg9[%get3A_56] : memref<2xf32, #tpu.memory_space<smem>>
      %get3A_58 = arith.constant 1 : index
      %get3A_59 = memref.load %arg9[%get3A_58] : memref<2xf32, #tpu.memory_space<smem>>
      %add3A = arith.addf %get3A_57, %get3A_59 : f32
      %ge3A = arith.constant 0.000000e+00 : f32
      %ge3A_60 = arith.cmpf oge, %add3A, %ge3A : f32
      %mul3A_61 = arith.constant 2.000000e-01 : f32
      %mul3A_62 = arith.mulf %mul3A_61, %add3A : f32
      %select_n3A = arith.select %ge3A_60, %add3A, %mul3A_62 : f32
      %broadcast_in_dim3A_63 = vector.broadcast %select_n3A : f32 to vector<8x128xf32>
      %swap3A_64 = arith.constant 0 : index
      %swap3A_65 = arith.constant 0 : index
      %swap3A_66 = vector.load %arg8[%swap3A_64, %swap3A_65] : memref<8x128xf32, #tpu.memory_space<vmem>>, vector<8x128xf32>
      tpu.vector_store %arg8[%swap3A_64, %swap3A_65], %broadcast_in_dim3A_63 {strides = array<i32>} : memref<8x128xf32, #tpu.memory_space<vmem>>, vector<8x128xf32>,
    } else {
    }
    return
  }
  func.func @transform_0(%arg0: i32) -> (i32, i32) {
    %c0_i32 = arith.constant 0 : i32
    %c0_i32_0 = arith.constant 0 : i32
    return %arg0, %c0_i32 : i32, i32
  }
  func.func @transform_1(%arg0: i32) -> (i32, i32) {
    %c0_i32 = arith.constant 0 : i32
    %c0_i32_0 = arith.constant 0 : i32
    %c0_i32_1 = arith.constant 0 : i32
    return %c0_i32, %c0_i32_0 : i32, i32
  }
  func.func @transform_2(%arg0: i32) -> (i32, i32) {
    %c0_i32 = arith.constant 0 : i32
    %c0_i32_0 = arith.constant 0 : i32
    %c0_i32_1 = arith.constant 0 : i32
    return %c0_i32, %c0_i32_0 : i32, i32
  }
  func.func @transform_3(%arg0: i32) -> (i32, i32) {
    %c0_i32 = arith.constant 0 : i32
    %c0_i32_0 = arith.constant 0 : i32
    %c0_i32_1 = arith.constant 0 : i32
    return %c0_i32, %c0_i32_0 : i32, i32
  }
  func.func @transform_4(%arg0: i32) -> (i32, i32) {
    %c0_i32 = arith.constant 0 : i32
    %c0_i32_0 = arith.constant 0 : i32
    return %arg0, %c0_i32 : i32, i32
  }
  func.func @transform_5(%arg0: i32) -> (i32, i32) {
    %c0_i32 = arith.constant 0 : i32
    %c0_i32_0 = arith.constant 0 : i32
    return %arg0, %c0_i32 : i32, i32
  }
  func.func @transform_6(%arg0: i32) -> (i32, i32) {
    %c0_i32 = arith.constant 0 : i32
    %c0_i32_0 = arith.constant 0 : i32
    return %arg0, %c0_i32 : i32, i32
  }
  func.func @transform_7(%arg0: i32) -> (i32, i32) {
    %c0_i32 = arith.constant 0 : i32
    %c0_i32_0 = arith.constant 0 : i32
    %c0_i32_1 = arith.constant 0 : i32
    return %c0_i32, %c0_i32_0 : i32, i32
  }
}

module attributes {stable_mosaic.version = 14 : i64} {
  func.func @_comb_body(%arg0: i32, %arg1: memref<2x1024x128xf32, #tpu.memory_space<vmem>>, %arg2: memref<1024x128xf32, #tpu.memory_space<vmem>>, %arg3: memref<1024x1xf32, #tpu.memory_space<vmem>>, %arg4: memref<1024x1xf32, #tpu.memory_space<vmem>>, %arg5: memref<8x128xf32, #tpu.memory_space<vmem>>, %arg6: memref<1x64xf32, #tpu.memory_space<vmem>>, %arg7: memref<64x64xf32, #tpu.memory_space<vmem>>, %arg8: memref<1x64xf32, #tpu.memory_space<vmem>>, %arg9: memref<1x64xf32, #tpu.memory_space<vmem>>, %arg10: memref<1024x128xf32, #tpu.memory_space<vmem>>, %arg11: memref<1024x1xf32, #tpu.memory_space<vmem>>, %arg12: memref<1024x1xf32, #tpu.memory_space<vmem>>, %arg13: memref<8x128xf32, #tpu.memory_space<vmem>>, %arg14: memref<2xf32, #tpu.memory_space<smem>>) attributes {dimension_semantics = [#tpu.dimension_semantics<arbitrary>], iteration_bounds = array<i64: 10>, scalar_prefetch = 0 : i64, scratch_operands = 1 : i64, tpu.core_type = #tpu.core_type<tc>, window_params = [{transform_indices = @transform_0, window_bounds = array<i64: 2, 1024, 128>}, {transform_indices = @transform_1, window_bounds = array<i64: 1024, 128>}, {transform_indices = @transform_2, window_bounds = array<i64: 1024, 1>}, {transform_indices = @transform_3, window_bounds = array<i64: 1024, 1>}, {pipeline_mode = #tpu.pipeline_mode<synchronous>, transform_indices = @transform_4, window_bounds = array<i64: 8, 128>}, {pipeline_mode = #tpu.pipeline_mode<synchronous>, transform_indices = @transform_5, window_bounds = array<i64: 1, 64>}, {pipeline_mode = #tpu.pipeline_mode<synchronous>, transform_indices = @transform_6, window_bounds = array<i64: 64, 64>}, {pipeline_mode = #tpu.pipeline_mode<synchronous>, transform_indices = @transform_7, window_bounds = array<i64: 1, 64>}, {pipeline_mode = #tpu.pipeline_mode<synchronous>, transform_indices = @transform_8, window_bounds = array<i64: 1, 64>}, {transform_indices = @transform_9, window_bounds = array<i64: 1024, 128>}, {transform_indices = @transform_10, window_bounds = array<i64: 1024, 1>}, {transform_indices = @transform_11, window_bounds = array<i64: 1024, 1>}, {pipeline_mode = #tpu.pipeline_mode<synchronous>, transform_indices = @transform_12, window_bounds = array<i64: 8, 128>}]} {
    %get3A = arith.constant 0 : index
    %get3A_0 = arith.constant 0 : index
    %get3A_1 = vector.load %arg3[%get3A, %get3A_0] : memref<1024x1xf32, #tpu.memory_space<vmem>>, vector<1024x1xf32>
    %get3A_2 = arith.constant 0 : index
    %get3A_3 = arith.constant 0 : index
    %get3A_4 = vector.load %arg4[%get3A_2, %get3A_3] : memref<1024x1xf32, #tpu.memory_space<vmem>>, vector<1024x1xf32>
    %add3A = arith.addf %get3A_1, %get3A_4 : vector<1024x1xf32>
    %ge3A = arith.constant 0.000000e+00 : f32
    %ge3A_5 = vector.broadcast %ge3A : f32 to vector<1024x1xf32>
    %ge3A_6 = arith.cmpf oge, %add3A, %ge3A_5 : vector<1024x1xf32>
    %mul3A = arith.constant 2.000000e-01 : f32
    %mul3A_7 = vector.broadcast %mul3A : f32 to vector<1024x1xf32>
    %mul3A_8 = arith.mulf %mul3A_7, %add3A : vector<1024x1xf32>
    %select_n3A = arith.select %ge3A_6, %add3A, %mul3A_8 : vector<1024x1xi1>, vector<1024x1xf32>
    %get3A_9 = arith.constant 0 : index
    %get3A_10 = arith.constant 0 : index
    %get3A_11 = vector.load %arg5[%get3A_9, %get3A_10] : memref<8x128xf32, #tpu.memory_space<vmem>>, vector<8x128xf32>
    %reduce_max3A = vector.shape_cast %get3A_11 : vector<8x128xf32> to vector<1x8x128xf32>
    %reduce_max3A_12 = arith.constant dense<0xFF800000> : vector<1xf32>
    %reduce_max3A_13 = vector.multi_reduction <maximumf>, %reduce_max3A, %reduce_max3A_12 [1, 2] : vector<1x8x128xf32> to vector<1xf32>
    %reduce_max3A_14 = vector.shape_cast %reduce_max3A_13 : vector<1xf32> to vector<1x1x1xf32>
    %reduce_max3A_15 = vector.extract %reduce_max3A_14[0, 0, 0] : f32 from vector<1x1x1xf32>
    %sub3A = vector.broadcast %reduce_max3A_15 : f32 to vector<1024x1xf32>
    %sub3A_16 = arith.subf %select_n3A, %sub3A : vector<1024x1xf32>
    %exp3A = math.exp %sub3A_16 : vector<1024x1xf32>
    %get3A_17 = arith.constant 0 : index
    %get3A_18 = arith.constant 0 : index
    %get3A_19 = arith.constant 0 : index
    %get3A_20 = vector.load %arg1[%get3A_17, %get3A_18, %get3A_19] : memref<2x1024x128xf32, #tpu.memory_space<vmem>>, vector<1x1024x128xf32>
    %get3A_21 = vector.shape_cast %get3A_20 : vector<1x1024x128xf32> to vector<1024x128xf32>
    %get3A_22 = arith.constant 1 : index
    %get3A_23 = arith.constant 0 : index
    %get3A_24 = arith.constant 0 : index
    %get3A_25 = vector.load %arg1[%get3A_22, %get3A_23, %get3A_24] : memref<2x1024x128xf32, #tpu.memory_space<vmem>>, vector<1x1024x128xf32>
    %get3A_26 = vector.shape_cast %get3A_25 : vector<1x1024x128xf32> to vector<1024x128xf32>
    %add3A_27 = arith.addf %get3A_21, %get3A_26 : vector<1024x128xf32>
    %get3A_28 = arith.constant 0 : index
    %get3A_29 = arith.constant 0 : index
    %get3A_30 = vector.load %arg2[%get3A_28, %get3A_29] : memref<1024x128xf32, #tpu.memory_space<vmem>>, vector<1024x128xf32>
    %mul3A_31 = vector.broadcast %exp3A : vector<1024x1xf32> to vector<1024x128xf32>
    %mul3A_32 = arith.mulf %mul3A_31, %get3A_30 : vector<1024x128xf32>
    %add3A_33 = arith.addf %add3A_27, %mul3A_32 : vector<1024x128xf32>
    %slice3A = vector.extract_strided_slice %add3A_33 {offsets = [0, 0], sizes = [1024, 64], strides = [1, 1]} : vector<1024x128xf32> to vector<1024x64xf32>
    %slice3A_34 = vector.extract_strided_slice %add3A_33 {offsets = [0, 64], sizes = [1024, 1], strides = [1, 1]} : vector<1024x128xf32> to vector<1024x1xf32>
    %add3A_35 = arith.constant 1.000000e-16 : f32
    %add3A_36 = vector.broadcast %add3A_35 : f32 to vector<1024x1xf32>
    %add3A_37 = arith.addf %slice3A_34, %add3A_36 : vector<1024x1xf32>
    %div3A = vector.broadcast %add3A_37 : vector<1024x1xf32> to vector<1024x64xf32>
    %div3A_38 = arith.divf %slice3A, %div3A : vector<1024x64xf32>
    %get3A_39 = arith.constant 0 : index
    %get3A_40 = arith.constant 0 : index
    %get3A_41 = vector.load %arg6[%get3A_39, %get3A_40] : memref<1x64xf32, #tpu.memory_space<vmem>>, vector<1x64xf32>
    %add3A_42 = vector.broadcast %get3A_41 : vector<1x64xf32> to vector<1024x64xf32>
    %add3A_43 = arith.addf %div3A_38, %add3A_42 : vector<1024x64xf32>
    %max3A = arith.constant 0.000000e+00 : f32
    %max3A_44 = vector.broadcast %max3A : f32 to vector<1024x64xf32>
    %max3A_45 = arith.maximumf %add3A_43, %max3A_44 : vector<1024x64xf32>
    %get3A_46 = arith.constant 0 : index
    %get3A_47 = arith.constant 0 : index
    %get3A_48 = vector.load %arg7[%get3A_46, %get3A_47] : memref<64x64xf32, #tpu.memory_space<vmem>>, vector<64x64xf32>
    %dot_general3A = arith.constant dense<0.000000e+00> : vector<1024x64xf32>
    %dot_general3A_49 = tpu.matmul %max3A_45, %get3A_48, %dot_general3A {dimension_numbers = #tpu.dot_dimension_numbers<[1], [0], [0], [1], [0, 0, 1, 1], [], []>, transpose_lhs_hint = false} : vector<1024x64xf32>, vector<64x64xf32>, vector<1024x64xf32> -> vector<1024x64xf32>
    %broadcast_in_dim3A = arith.constant 1.000000e+00 : f32
    %broadcast_in_dim3A_50 = vector.broadcast %broadcast_in_dim3A : f32 to vector<1024x1xf32>
    %broadcast_in_dim3A_51 = arith.constant 0.000000e+00 : f32
    %broadcast_in_dim3A_52 = vector.broadcast %broadcast_in_dim3A_51 : f32 to vector<1024x63xf32>
    %concatenate3A = tpu.concatenate %dot_general3A_49, %broadcast_in_dim3A_50, %broadcast_in_dim3A_52 in 1 : vector<1024x64xf32>, vector<1024x1xf32>, vector<1024x63xf32> -> vector<1024x128xf32>
    %swap3A = arith.constant 0 : index
    %swap3A_53 = arith.constant 0 : index
    %swap3A_54 = vector.load %arg10[%swap3A, %swap3A_53] : memref<1024x128xf32, #tpu.memory_space<vmem>>, vector<1024x128xf32>
    tpu.vector_store %arg10[%swap3A, %swap3A_53], %concatenate3A {strides = array<i32>} : memref<1024x128xf32, #tpu.memory_space<vmem>>, vector<1024x128xf32>,
    %get3A_55 = arith.constant 0 : index
    %get3A_56 = arith.constant 0 : index
    %get3A_57 = vector.load %arg8[%get3A_55, %get3A_56] : memref<1x64xf32, #tpu.memory_space<vmem>>, vector<1x64xf32>
    %mul3A_58 = vector.broadcast %get3A_57 : vector<1x64xf32> to vector<1024x64xf32>
    %mul3A_59 = arith.mulf %dot_general3A_49, %mul3A_58 : vector<1024x64xf32>
    %reduce_sum3A = arith.constant dense<0.000000e+00> : vector<1024xf32>
    %reduce_sum3A_60 = vector.multi_reduction <add>, %mul3A_59, %reduce_sum3A [1] : vector<1024x64xf32> to vector<1024xf32>
    %broadcast_in_dim3A_61 = vector.shape_cast %reduce_sum3A_60 : vector<1024xf32> to vector<1024x1xf32>
    %get3A_62 = arith.constant 0 : index
    %get3A_63 = arith.constant 0 : index
    %get3A_64 = vector.load %arg9[%get3A_62, %get3A_63] : memref<1x64xf32, #tpu.memory_space<vmem>>, vector<1x64xf32>
    %mul3A_65 = vector.broadcast %get3A_64 : vector<1x64xf32> to vector<1024x64xf32>
    %mul3A_66 = arith.mulf %dot_general3A_49, %mul3A_65 : vector<1024x64xf32>
    %reduce_sum3A_67 = arith.constant dense<0.000000e+00> : vector<1024xf32>
    %reduce_sum3A_68 = vector.multi_reduction <add>, %mul3A_66, %reduce_sum3A_67 [1] : vector<1024x64xf32> to vector<1024xf32>
    %broadcast_in_dim3A_69 = vector.shape_cast %reduce_sum3A_68 : vector<1024xf32> to vector<1024x1xf32>
    %swap3A_70 = arith.constant 0 : index
    %swap3A_71 = arith.constant 0 : index
    %swap3A_72 = vector.load %arg11[%swap3A_70, %swap3A_71] : memref<1024x1xf32, #tpu.memory_space<vmem>>, vector<1024x1xf32>
    tpu.vector_store %arg11[%swap3A_70, %swap3A_71], %broadcast_in_dim3A_61 {strides = array<i32>} : memref<1024x1xf32, #tpu.memory_space<vmem>>, vector<1024x1xf32>,
    %swap3A_73 = arith.constant 0 : index
    %swap3A_74 = arith.constant 0 : index
    %swap3A_75 = vector.load %arg12[%swap3A_73, %swap3A_74] : memref<1024x1xf32, #tpu.memory_space<vmem>>, vector<1024x1xf32>
    tpu.vector_store %arg12[%swap3A_73, %swap3A_74], %broadcast_in_dim3A_69 {strides = array<i32>} : memref<1024x1xf32, #tpu.memory_space<vmem>>, vector<1024x1xf32>,
    %eq3A = arith.constant 0 : i32
    %eq3A_76 = arith.cmpi eq, %arg0, %eq3A : i32
    %convert_element_type3A = arith.extui %eq3A_76 : i1 to i32
    %cond3A = arith.constant 0 : i32
    %cond3A_77 = arith.cmpi ne, %convert_element_type3A, %cond3A : i32
    scf.if %cond3A_77 {
      %swap3A_103 = arith.constant 0xFF800000 : f32
      %swap3A_104 = arith.constant 0 : index
      %swap3A_105 = memref.load %arg14[%swap3A_104] : memref<2xf32, #tpu.memory_space<smem>>
      memref.store %swap3A_103, %arg14[%swap3A_104] : memref<2xf32, #tpu.memory_space<smem>>
      %swap3A_106 = arith.constant 0xFF800000 : f32
      %swap3A_107 = arith.constant 1 : index
      %swap3A_108 = memref.load %arg14[%swap3A_107] : memref<2xf32, #tpu.memory_space<smem>>
      memref.store %swap3A_106, %arg14[%swap3A_107] : memref<2xf32, #tpu.memory_space<smem>>
    } else {
    }
    %get3A_78 = arith.constant 0 : index
    %get3A_79 = memref.load %arg14[%get3A_78] : memref<2xf32, #tpu.memory_space<smem>>
    %reduce_max3A_80 = vector.shape_cast %broadcast_in_dim3A_61 : vector<1024x1xf32> to vector<1x1024x1xf32>
    %reduce_max3A_81 = arith.constant dense<0xFF800000> : vector<1xf32>
    %reduce_max3A_82 = vector.multi_reduction <maximumf>, %reduce_max3A_80, %reduce_max3A_81 [1, 2] : vector<1x1024x1xf32> to vector<1xf32>
    %reduce_max3A_83 = vector.shape_cast %reduce_max3A_82 : vector<1xf32> to vector<1x1x1xf32>
    %reduce_max3A_84 = vector.extract %reduce_max3A_83[0, 0, 0] : f32 from vector<1x1x1xf32>
    %max3A_85 = arith.maximumf %get3A_79, %reduce_max3A_84 : f32
    %swap3A_86 = arith.constant 0 : index
    %swap3A_87 = memref.load %arg14[%swap3A_86] : memref<2xf32, #tpu.memory_space<smem>>
    memref.store %max3A_85, %arg14[%swap3A_86] : memref<2xf32, #tpu.memory_space<smem>>
    %get3A_88 = arith.constant 1 : index
    %get3A_89 = memref.load %arg14[%get3A_88] : memref<2xf32, #tpu.memory_space<smem>>
    %reduce_max3A_90 = vector.shape_cast %broadcast_in_dim3A_69 : vector<1024x1xf32> to vector<1x1024x1xf32>
    %reduce_max3A_91 = arith.constant dense<0xFF800000> : vector<1xf32>
    %reduce_max3A_92 = vector.multi_reduction <maximumf>, %reduce_max3A_90, %reduce_max3A_91 [1, 2] : vector<1x1024x1xf32> to vector<1xf32>
    %reduce_max3A_93 = vector.shape_cast %reduce_max3A_92 : vector<1xf32> to vector<1x1x1xf32>
    %reduce_max3A_94 = vector.extract %reduce_max3A_93[0, 0, 0] : f32 from vector<1x1x1xf32>
    %max3A_95 = arith.maximumf %get3A_89, %reduce_max3A_94 : f32
    %swap3A_96 = arith.constant 1 : index
    %swap3A_97 = memref.load %arg14[%swap3A_96] : memref<2xf32, #tpu.memory_space<smem>>
    memref.store %max3A_95, %arg14[%swap3A_96] : memref<2xf32, #tpu.memory_space<smem>>
    %eq3A_98 = arith.constant 9 : i32
    %eq3A_99 = arith.cmpi eq, %arg0, %eq3A_98 : i32
    %convert_element_type3A_100 = arith.extui %eq3A_99 : i1 to i32
    %cond3A_101 = arith.constant 0 : i32
    %cond3A_102 = arith.cmpi ne, %convert_element_type3A_100, %cond3A_101 : i32
    scf.if %cond3A_102 {
      %get3A_103 = arith.constant 0 : index
      %get3A_104 = memref.load %arg14[%get3A_103] : memref<2xf32, #tpu.memory_space<smem>>
      %get3A_105 = arith.constant 1 : index
      %get3A_106 = memref.load %arg14[%get3A_105] : memref<2xf32, #tpu.memory_space<smem>>
      %add3A_107 = arith.addf %get3A_104, %get3A_106 : f32
      %ge3A_108 = arith.constant 0.000000e+00 : f32
      %ge3A_109 = arith.cmpf oge, %add3A_107, %ge3A_108 : f32
      %mul3A_110 = arith.constant 2.000000e-01 : f32
      %mul3A_111 = arith.mulf %mul3A_110, %add3A_107 : f32
      %select_n3A_112 = arith.select %ge3A_109, %add3A_107, %mul3A_111 : f32
      %broadcast_in_dim3A_113 = vector.broadcast %select_n3A_112 : f32 to vector<8x128xf32>
      %swap3A_114 = arith.constant 0 : index
      %swap3A_115 = arith.constant 0 : index
      %swap3A_116 = vector.load %arg13[%swap3A_114, %swap3A_115] : memref<8x128xf32, #tpu.memory_space<vmem>>, vector<8x128xf32>
      tpu.vector_store %arg13[%swap3A_114, %swap3A_115], %broadcast_in_dim3A_113 {strides = array<i32>} : memref<8x128xf32, #tpu.memory_space<vmem>>, vector<8x128xf32>,
    } else {
    }
    return
  }
  func.func @transform_0(%arg0: i32) -> (i32, i32, i32) {
    %c0_i32 = arith.constant 0 : i32
    %c0_i32_0 = arith.constant 0 : i32
    %c0_i32_1 = arith.constant 0 : i32
    return %c0_i32, %arg0, %c0_i32_0 : i32, i32, i32
  }
  func.func @transform_1(%arg0: i32) -> (i32, i32) {
    %c0_i32 = arith.constant 0 : i32
    %c0_i32_0 = arith.constant 0 : i32
    return %arg0, %c0_i32 : i32, i32
  }
  func.func @transform_2(%arg0: i32) -> (i32, i32) {
    %c0_i32 = arith.constant 0 : i32
    %c0_i32_0 = arith.constant 0 : i32
    return %arg0, %c0_i32 : i32, i32
  }
  func.func @transform_3(%arg0: i32) -> (i32, i32) {
    %c0_i32 = arith.constant 0 : i32
    %c0_i32_0 = arith.constant 0 : i32
    return %arg0, %c0_i32 : i32, i32
  }
  func.func @transform_4(%arg0: i32) -> (i32, i32) {
    %c0_i32 = arith.constant 0 : i32
    %c0_i32_0 = arith.constant 0 : i32
    %c0_i32_1 = arith.constant 0 : i32
    return %c0_i32, %c0_i32_0 : i32, i32
  }
  func.func @transform_5(%arg0: i32) -> (i32, i32) {
    %c0_i32 = arith.constant 0 : i32
    %c0_i32_0 = arith.constant 0 : i32
    %c0_i32_1 = arith.constant 0 : i32
    return %c0_i32, %c0_i32_0 : i32, i32
  }
  func.func @transform_6(%arg0: i32) -> (i32, i32) {
    %c0_i32 = arith.constant 0 : i32
    %c0_i32_0 = arith.constant 0 : i32
    %c0_i32_1 = arith.constant 0 : i32
    return %c0_i32, %c0_i32_0 : i32, i32
  }
  func.func @transform_7(%arg0: i32) -> (i32, i32) {
    %c0_i32 = arith.constant 0 : i32
    %c0_i32_0 = arith.constant 0 : i32
    %c0_i32_1 = arith.constant 0 : i32
    return %c0_i32, %c0_i32_0 : i32, i32
  }
  func.func @transform_8(%arg0: i32) -> (i32, i32) {
    %c0_i32 = arith.constant 0 : i32
    %c0_i32_0 = arith.constant 0 : i32
    %c0_i32_1 = arith.constant 0 : i32
    return %c0_i32, %c0_i32_0 : i32, i32
  }
  func.func @transform_9(%arg0: i32) -> (i32, i32) {
    %c0_i32 = arith.constant 0 : i32
    %c0_i32_0 = arith.constant 0 : i32
    return %arg0, %c0_i32 : i32, i32
  }
  func.func @transform_10(%arg0: i32) -> (i32, i32) {
    %c0_i32 = arith.constant 0 : i32
    %c0_i32_0 = arith.constant 0 : i32
    return %arg0, %c0_i32 : i32, i32
  }
  func.func @transform_11(%arg0: i32) -> (i32, i32) {
    %c0_i32 = arith.constant 0 : i32
    %c0_i32_0 = arith.constant 0 : i32
    return %arg0, %c0_i32 : i32, i32
  }
  func.func @transform_12(%arg0: i32) -> (i32, i32) {
    %c0_i32 = arith.constant 0 : i32
    %c0_i32_0 = arith.constant 0 : i32
    %c0_i32_1 = arith.constant 0 : i32
    return %c0_i32, %c0_i32_0 : i32, i32
  }
}

module attributes {stable_mosaic.version = 14 : i64} {
  func.func @_fin_body(%arg0: i32, %arg1: memref<2x1024x128xf32, #tpu.memory_space<vmem>>, %arg2: memref<1024x128xf32, #tpu.memory_space<vmem>>, %arg3: memref<1024x1xf32, #tpu.memory_space<vmem>>, %arg4: memref<1024x1xf32, #tpu.memory_space<vmem>>, %arg5: memref<8x128xf32, #tpu.memory_space<vmem>>, %arg6: memref<1x64xf32, #tpu.memory_space<vmem>>, %arg7: memref<1024x64xf32, #tpu.memory_space<vmem>>) attributes {dimension_semantics = [#tpu.dimension_semantics<arbitrary>], iteration_bounds = array<i64: 10>, scalar_prefetch = 0 : i64, scratch_operands = 0 : i64, tpu.core_type = #tpu.core_type<tc>, window_params = [{transform_indices = @transform_0, window_bounds = array<i64: 2, 1024, 128>}, {transform_indices = @transform_1, window_bounds = array<i64: 1024, 128>}, {transform_indices = @transform_2, window_bounds = array<i64: 1024, 1>}, {transform_indices = @transform_3, window_bounds = array<i64: 1024, 1>}, {pipeline_mode = #tpu.pipeline_mode<synchronous>, transform_indices = @transform_4, window_bounds = array<i64: 8, 128>}, {pipeline_mode = #tpu.pipeline_mode<synchronous>, transform_indices = @transform_5, window_bounds = array<i64: 1, 64>}, {transform_indices = @transform_6, window_bounds = array<i64: 1024, 64>}]} {
    %get3A = arith.constant 0 : index
    %get3A_0 = arith.constant 0 : index
    %get3A_1 = vector.load %arg3[%get3A, %get3A_0] : memref<1024x1xf32, #tpu.memory_space<vmem>>, vector<1024x1xf32>
    %get3A_2 = arith.constant 0 : index
    %get3A_3 = arith.constant 0 : index
    %get3A_4 = vector.load %arg4[%get3A_2, %get3A_3] : memref<1024x1xf32, #tpu.memory_space<vmem>>, vector<1024x1xf32>
    %add3A = arith.addf %get3A_1, %get3A_4 : vector<1024x1xf32>
    %ge3A = arith.constant 0.000000e+00 : f32
    %ge3A_5 = vector.broadcast %ge3A : f32 to vector<1024x1xf32>
    %ge3A_6 = arith.cmpf oge, %add3A, %ge3A_5 : vector<1024x1xf32>
    %mul3A = arith.constant 2.000000e-01 : f32
    %mul3A_7 = vector.broadcast %mul3A : f32 to vector<1024x1xf32>
    %mul3A_8 = arith.mulf %mul3A_7, %add3A : vector<1024x1xf32>
    %select_n3A = arith.select %ge3A_6, %add3A, %mul3A_8 : vector<1024x1xi1>, vector<1024x1xf32>
    %get3A_9 = arith.constant 0 : index
    %get3A_10 = arith.constant 0 : index
    %get3A_11 = vector.load %arg5[%get3A_9, %get3A_10] : memref<8x128xf32, #tpu.memory_space<vmem>>, vector<8x128xf32>
    %reduce_max3A = vector.shape_cast %get3A_11 : vector<8x128xf32> to vector<1x8x128xf32>
    %reduce_max3A_12 = arith.constant dense<0xFF800000> : vector<1xf32>
    %reduce_max3A_13 = vector.multi_reduction <maximumf>, %reduce_max3A, %reduce_max3A_12 [1, 2] : vector<1x8x128xf32> to vector<1xf32>
    %reduce_max3A_14 = vector.shape_cast %reduce_max3A_13 : vector<1xf32> to vector<1x1x1xf32>
    %reduce_max3A_15 = vector.extract %reduce_max3A_14[0, 0, 0] : f32 from vector<1x1x1xf32>
    %sub3A = vector.broadcast %reduce_max3A_15 : f32 to vector<1024x1xf32>
    %sub3A_16 = arith.subf %select_n3A, %sub3A : vector<1024x1xf32>
    %exp3A = math.exp %sub3A_16 : vector<1024x1xf32>
    %get3A_17 = arith.constant 0 : index
    %get3A_18 = arith.constant 0 : index
    %get3A_19 = arith.constant 0 : index
    %get3A_20 = vector.load %arg1[%get3A_17, %get3A_18, %get3A_19] : memref<2x1024x128xf32, #tpu.memory_space<vmem>>, vector<1x1024x128xf32>
    %get3A_21 = vector.shape_cast %get3A_20 : vector<1x1024x128xf32> to vector<1024x128xf32>
    %get3A_22 = arith.constant 1 : index
    %get3A_23 = arith.constant 0 : index
    %get3A_24 = arith.constant 0 : index
    %get3A_25 = vector.load %arg1[%get3A_22, %get3A_23, %get3A_24] : memref<2x1024x128xf32, #tpu.memory_space<vmem>>, vector<1x1024x128xf32>
    %get3A_26 = vector.shape_cast %get3A_25 : vector<1x1024x128xf32> to vector<1024x128xf32>
    %add3A_27 = arith.addf %get3A_21, %get3A_26 : vector<1024x128xf32>
    %get3A_28 = arith.constant 0 : index
    %get3A_29 = arith.constant 0 : index
    %get3A_30 = vector.load %arg2[%get3A_28, %get3A_29] : memref<1024x128xf32, #tpu.memory_space<vmem>>, vector<1024x128xf32>
    %mul3A_31 = vector.broadcast %exp3A : vector<1024x1xf32> to vector<1024x128xf32>
    %mul3A_32 = arith.mulf %mul3A_31, %get3A_30 : vector<1024x128xf32>
    %add3A_33 = arith.addf %add3A_27, %mul3A_32 : vector<1024x128xf32>
    %slice3A = vector.extract_strided_slice %add3A_33 {offsets = [0, 0], sizes = [1024, 64], strides = [1, 1]} : vector<1024x128xf32> to vector<1024x64xf32>
    %slice3A_34 = vector.extract_strided_slice %add3A_33 {offsets = [0, 64], sizes = [1024, 1], strides = [1, 1]} : vector<1024x128xf32> to vector<1024x1xf32>
    %add3A_35 = arith.constant 1.000000e-16 : f32
    %add3A_36 = vector.broadcast %add3A_35 : f32 to vector<1024x1xf32>
    %add3A_37 = arith.addf %slice3A_34, %add3A_36 : vector<1024x1xf32>
    %div3A = vector.broadcast %add3A_37 : vector<1024x1xf32> to vector<1024x64xf32>
    %div3A_38 = arith.divf %slice3A, %div3A : vector<1024x64xf32>
    %get3A_39 = arith.constant 0 : index
    %get3A_40 = arith.constant 0 : index
    %get3A_41 = vector.load %arg6[%get3A_39, %get3A_40] : memref<1x64xf32, #tpu.memory_space<vmem>>, vector<1x64xf32>
    %add3A_42 = vector.broadcast %get3A_41 : vector<1x64xf32> to vector<1024x64xf32>
    %add3A_43 = arith.addf %div3A_38, %add3A_42 : vector<1024x64xf32>
    %swap3A = arith.constant 0 : index
    %swap3A_44 = arith.constant 0 : index
    %swap3A_45 = vector.load %arg7[%swap3A, %swap3A_44] : memref<1024x64xf32, #tpu.memory_space<vmem>>, vector<1024x64xf32>
    tpu.vector_store %arg7[%swap3A, %swap3A_44], %add3A_43 {strides = array<i32>} : memref<1024x64xf32, #tpu.memory_space<vmem>>, vector<1024x64xf32>,
    return
  }
  func.func @transform_0(%arg0: i32) -> (i32, i32, i32) {
    %c0_i32 = arith.constant 0 : i32
    %c0_i32_0 = arith.constant 0 : i32
    %c0_i32_1 = arith.constant 0 : i32
    return %c0_i32, %arg0, %c0_i32_0 : i32, i32, i32
  }
  func.func @transform_1(%arg0: i32) -> (i32, i32) {
    %c0_i32 = arith.constant 0 : i32
    %c0_i32_0 = arith.constant 0 : i32
    return %arg0, %c0_i32 : i32, i32
  }
  func.func @transform_2(%arg0: i32) -> (i32, i32) {
    %c0_i32 = arith.constant 0 : i32
    %c0_i32_0 = arith.constant 0 : i32
    return %arg0, %c0_i32 : i32, i32
  }
  func.func @transform_3(%arg0: i32) -> (i32, i32) {
    %c0_i32 = arith.constant 0 : i32
    %c0_i32_0 = arith.constant 0 : i32
    return %arg0, %c0_i32 : i32, i32
  }
  func.func @transform_4(%arg0: i32) -> (i32, i32) {
    %c0_i32 = arith.constant 0 : i32
    %c0_i32_0 = arith.constant 0 : i32
    %c0_i32_1 = arith.constant 0 : i32
    return %c0_i32, %c0_i32_0 : i32, i32
  }
  func.func @transform_5(%arg0: i32) -> (i32, i32) {
    %c0_i32 = arith.constant 0 : i32
    %c0_i32_0 = arith.constant 0 : i32
    %c0_i32_1 = arith.constant 0 : i32
    return %c0_i32, %c0_i32_0 : i32, i32
  }
  func.func @transform_6(%arg0: i32) -> (i32, i32) {
    %c0_i32 = arith.constant 0 : i32
    %c0_i32_0 = arith.constant 0 : i32
    return %arg0, %c0_i32 : i32, i32
  }
}

</mosaic_0001>

<sc_bundles>
// kernel: kernel.10.cloned.1.call-start
scs
__scs_entry_jumppad:
0x0: {  	(pc) =	sbr.rel $0x88, $3  }
0x1: {  	(tag) =	ssettag $0x0;
	lr =	simm.s32 $0x1  }
0x2: {  	[smem:$0x3F97] =	sst lr;
	_ =	strace $0xD0000000  }
0x3: {  	_ = 	snop  }
0x4: {  	_ = 	snop  }
0x5: {  	_ = 	snop  }
0x6: {  	_ = 	snop  }
0x7: {  	_ = 	snop  }
__scs_overlays_trampoline_lowered:
0x8: {  	[smem:$0x3FA6] =	sst s0  }
0x9: {  	[smem:$0x3FA7] =	sst s1  }
0xa: {  	[smem:$0x3FA8] =	sst s2  }
0xb: {  	[smem:$0x3FA9] =	sst s3  }
0xc: {  	[smem:$0x3FAA] =	sst s4  }
0xd: {  	[smem:$0x3FAB] =	sst s5  }
0xe: {  	[smem:$0x3FAC] =	sst s6  }
0xf: {  	[smem:$0x3FAD] =	sst s7  }
0x10: {  	[smem:$0x3FAE] =	sst s8  }
0x11: {  	[smem:$0x3FAF] =	sst s9;
	s0 =	simm.s32 @!p0 $0x0  }
0x12: {  	s1 =	sld [smem:$0x3F95];
	s0 =	simm.s32 @p0 $0x1  }
0x13: {  	[smem:$0x3FB0] =	sst s0;
	s0 =	simm.s32 @!p1 $0x0  }
0x14: {  	s2 =	sld [smem:$0x3F94];
	s0 =	simm.s32 @p1 $0x1  }
0x15: {  	[smem:$0x3FB1] =	sst s0;
	s0 =	simm.s32 @!p2 $0x0  }
0x16: {  	s3 =	sld [smem:$0x3FDB];
	s0 =	simm.s32 @p2 $0x1  }
0x17: {  	s4 =	simm.s32 $0x1BF5;
	[smem:$0x3FB3] =	sst s0  }
0x18: {  	s0 =	sld [smem:$0x3F96];
	_ =	swait.ge [sflag:s4], $0x0  }
0x19: {  	s7 =	sld [smem:$0x3F97]  }
0x1a: {  	s8 =	sadd.s32 $0xFFFFE003, lr  }
0x1b: {  	s9 =	sadd.s32 $0xFFFFFEF7, lr;
	s5 =	simm.s32 $0xFFFFFFFF;
	p2 =	slt.u32 s8, $0xFFFFF086  }
0x1c: {  	p1 =	slt.u32 s9, $0xF7A;
	s5 =	simm.s32 @!p2 $0x0  }
0x1d: {  	s5 =	simm.s32 @p1 $0x1;
	p0 =	seq.s32 s7, s2  }
0x1e: {  	s7 =	smul.u32 @!p0 $0xF7A, s2;
	p2 =	seq.s32 @!p0 s5, $0x0  }
0x1f: {  	s9 =	smul.u32 $0xF7A, s1;
	s8 =	simm.s32 @!p0 $0x1BF5;
	p2 =	por !p2, p0  }
0x20: {  	[sflag:s8] =	ssyncset.s32 @!p0 $0xFFFFF086;
	s6 =	sadd.s32 @!p0 s3, s7;
	s7 =	simm.s32 @!p0 $0x108  }
0x21: {  	s3 =	sadd.s32 s3, s9;
	s6 =	sadd.s32 @!p0 $0x88, s6;
	s7 =	simm.s32 @p2 $0x1082  }
0x22: {  	[simem:s7], [sflag:s8] =	dma.local @!p0 [hbm:s6], $0xF7A  }
0x23: {  	s9 =	sor.u32 $0xD0000000, s2;
	s6 =	simm.s32 $0x108;
	_ =	swait.ge @!p0 [sflag:s8], $0x0  }
0x24: {  	s3 =	sadd.s32 $0x88, s3;
	s6 =	simm.s32 @!p1 $0x1082;
	[sflag:s4] =	ssyncset.s32 $0xFFFFF086  }
0x25: {  	[simem:s6], [sflag:s4] =	dma.local [hbm:s3], $0xF7A  }
0x26: {  	[smem:$0x3F97] =	sst s1;
	(tag) =	ssettag s2;
	_ =	strace s9  }
0x27: {  	s1 =	sld [smem:$0x3FA7]  }
0x28: {  	s2 =	sld [smem:$0x3FA8]  }
0x29: {  	s4 =	sld [smem:$0x3FAA]  }
0x2a: {  	p0 =	seq.s32 s5, $0x0;
	s5 =	sld [smem:$0x3FAB]  }
0x2b: {  	s6 =	sld [smem:$0x3FAC]  }
0x2c: {  	s7 =	sld [smem:$0x3FAD]  }
0x2d: {  	s3 =	simm.s32 $0x108;
	s8 =	sld [smem:$0x3FAE]  }
0x2e: {  	s3 =	simm.s32 @!p0 $0x1082;
	s9 =	sld [smem:$0x3FAF]  }
0x2f: {  	lr =	sadd.s32 s0, s3;
	s0 =	sld [smem:$0x3FA6]  }
0x30: {  	s3 =	sld [smem:$0x3FA9]  }
0x31: {  	[smem:$0x3FB2] =	sst s10  }
0x32: {  	s10 =	sld [smem:$0x3FB0];
	_ =	sdelay $0x3  }
0x33: {  	p0 =	seq.s32 s10, $0x1;
	s10 =	sld [smem:$0x3FB2];
	_ =	sdelay $0x3  }
0x34: {  	[smem:$0x3FB2] =	sst s10  }
0x35: {  	s10 =	sld [smem:$0x3FB1];
	_ =	sdelay $0x3  }
0x36: {  	p1 =	seq.s32 s10, $0x1;
	s10 =	sld [smem:$0x3FB2];
	_ =	sdelay $0x3  }
0x37: {  	[smem:$0x3FB2] =	sst s10  }
0x38: {  	s10 =	sld [smem:$0x3FB3]  }
0x39: {  	_ = 	snop;
	(pc) =	sbr.ind lr, $3  }
0x3a: {  	_ = 	snop  }
0x3b: {  	_ = 	snop  }
0x3c: {  	p2 =	seq.s32 s10, $0x1;
	s10 =	sld [smem:$0x3FB2]  }
0x3d: {  	_ =	shalt  }
0x3e: {  	_ =	shalt  }
0x3f: {  	_ =	shalt  }
0x40: {  	_ =	shalt  }
0x41: {  	_ =	shalt  }
0x42: {  	_ =	shalt  }
0x43: {  	_ =	shalt  }
0x44: {  	_ =	shalt  }
0x45: {  	_ =	shalt  }
0x46: {  	_ =	shalt  }
0x47: {  	_ =	shalt  }
0x48: {  	_ =	shalt  }
0x49: {  	_ =	shalt  }
0x4a: {  	_ =	shalt  }
0x4b: {  	_ =	shalt  }
0x4c: {  	_ =	shalt  }
0x4d: {  	_ =	shalt  }
0x4e: {  	_ =	shalt  }
0x4f: {  	_ =	shalt  }
0x50: {  	_ =	shalt  }
0x51: {  	_ =	shalt  }
0x52: {  	_ =	shalt  }
0x53: {  	_ =	shalt  }
0x54: {  	_ =	shalt  }
0x55: {  	_ =	shalt  }
0x56: {  	_ =	shalt  }
0x57: {  	_ =	shalt  }
0x58: {  	_ =	shalt  }
0x59: {  	_ =	shalt  }
0x5a: {  	_ =	shalt  }
0x5b: {  	_ =	shalt  }
0x5c: {  	_ =	shalt  }
0x5d: {  	_ =	shalt  }
0x5e: {  	_ =	shalt  }
0x5f: {  	_ =	shalt  }
0x60: {  	_ =	shalt  }
0x61: {  	_ =	shalt  }
0x62: {  	_ =	shalt  }
0x63: {  	_ =	shalt  }
0x64: {  	_ =	shalt  }
0x65: {  	_ =	shalt  }
0x66: {  	_ =	shalt  }
0x67: {  	_ =	shalt  }
0x68: {  	_ =	shalt  }
0x69: {  	_ =	shalt  }
0x6a: {  	_ =	shalt  }
0x6b: {  	_ =	shalt  }
0x6c: {  	_ =	shalt  }
0x6d: {  	_ =	shalt  }
0x6e: {  	_ =	shalt  }
0x6f: {  	_ =	shalt  }
0x70: {  	_ =	shalt  }
0x71: {  	_ =	shalt  }
0x72: {  	_ =	shalt  }
0x73: {  	_ =	shalt  }
0x74: {  	_ =	shalt  }
0x75: {  	_ =	shalt  }
0x76: {  	_ =	shalt  }
0x77: {  	_ =	shalt  }
0x78: {  	_ =	shalt  }
0x79: {  	_ =	shalt  }
0x7a: {  	_ =	shalt  }
0x7b: {  	_ =	shalt  }
0x7c: {  	_ =	shalt  }
0x7d: {  	_ =	shalt  }
0x7e: {  	_ =	shalt  }
0x7f: {  	_ =	shalt  }
0x80: {  	_ =	shalt  }
0x81: {  	_ =	shalt  }
0x82: {  	_ =	shalt  }
0x83: {  	_ =	shalt  }
0x84: {  	_ =	shalt  }
0x85: {  	_ =	shalt  }
0x86: {  	_ =	shalt  }
0x87: {  	_ =	shalt  }
.Lfunc_end0:
.L_simem_size_0:
called_computation.1_lowered:
.L_overlay_start_0:
0x88: {  	s2 =	sld [smem:$0x3FD9]  }
0x89: {  	s3 =	sld [smem:$0x3FFE];
	_ =	sdelay $0x1  }
0x8a: {  	s1 =	srdreg.scid  }
0x8b: {  	s0 =	sand.u32 $0x1, s1  }
0x8c: {  	s17 =	sshll.u32 s0, $0xA;
	s2 =	sadd.s32 s3, s2  }
0x8d: {  	s2 =	sadd.s32 s2, s17  }
0x8e: {  	[smem:$0x3FBE] =	sst s2  }
0x8f: {  	_ = 	snop  }
0x90: {  	s2 =	sld [smem:$0x3FD0];
	(tm) =	ssettm $0x1  }
0x91: {  	s18 =	sld [smem:$0x3FFB];
	_ =	sdelay $0x3  }
0x92: {  	_ =	strace s18  }
0x93: {  	s3 =	sld [smem:$0x3FFC];
	_ =	sdelay $0x3  }
0x94: {  	_ =	strace s3  }
0x95: {  	s3 =	sld [smem:$0x3FFD];
	_ =	sdelay $0x3  }
0x96: {  	_ =	strace s3  }
0x97: {  	_ =	strace $0x8FFFFFFF  }
0x98: {  	s19 =	sld [smem:$0x3FDB];
	_ =	sdelay $0x1  }
0x99: {  	s4 =	simm.s32 $_scs_section_size  }
0x9a: {  	s5 =	simm.s32 $_size__tile_overlayer_lowered;
	s6 =	simm.s32 $_tile_overlayer_lowered  }
0x9b: {  	s22 =	simm.s32 $0x1BFF;
	s21 =	sshll.u32 s6, $0x1;
	s3 =	sadd.s32 s4, s19  }
0x9c: {  	s7 =	simm.s32 $0x0;
	s20 =	sshll.u32 s5, $0x1;
	s5 =	sadd.s32 s21, s3  }
0x9d: {  	[timem:s7], [sflag:s22] =	dma.local [hbm:s5], s20  }
0x9e: {  	_ =	swait.ge [sflag:s22], s20  }
0x9f: {  	s4 =	ssub.s32 $0x0, s20;
	[sflag:s22] =	ssyncset.done $0x0  }
0xa0: {  	[sflag:s22] =	ssyncadd.s32 s4;
	_ =	sdelay $0x1  }
0xa1: {  	s23 =	simm.s32 $0x1B8B  }
0xa2: {  	_ =	swait.ge [sflag:s23], $0x1  }
0xa3: {  	[sflag:s23] =	ssyncset.done $0x0  }
0xa4: {  	s25 =	simm.s32 $0x1B8E;
	s24 =	sld [smem:$0x3FFE];
	[sflag:s23] =	ssyncadd.s32 $0xFFFFFFFF  }
0xa5: {  	s26 =	simm.s32 $execute0_lowered;
	[smem:$0x3FD2] =	sst s25  }
0xa6: {  	s5 =	sshll.u32 s26, $0x1;
	_ =	strace $0x80000049;
	[dreg:$0x1] =	wrdreg $0xFFFFFFFF  }
0xa7: {  	s28 =	simm.s32 $_size_execute0_lowered;
	s3 =	sadd.s32 s3, s5;
	[dreg:$0x0] =	wrdreg $0x0  }
0xa8: {  	s5 =	sshll.u32 s28, $0x1;
	[dreg:$0x2] =	wrdreg s3  }
0xa9: {  	[dreg:$0x3] =	wrdreg s5  }
0xaa: {  	[dreg:$0x4] =	wrdreg $0xC0  }
0xab: {  	_ =	task [dreg:s7], $0x5FFFF  }
0xac: {  	[dreg:$0x1] =	wrdreg $0xFFFFFFFF  }
0xad: {  	[dreg:$0x0] =	wrdreg $0x60  }
0xae: {  	[dreg:$0x2] =	wrdreg s24  }
0xaf: {  	[dreg:$0x3] =	wrdreg s2  }
0xb0: {  	[dreg:$0x4] =	wrdreg $0x92000  }
0xb1: {  	[dreg:$0x5] =	wrdreg $0x9  }
0xb2: {  	_ =	task.clear_ibuf [dreg:s7], $0x6FFFF;
	_ =	strace $0x90000049  }
0xb3: {  	s29 =	simm.s32 $0x9;
	_ =	strace $0x8000004B  }
0xb4: {  	_ =	swait.ge [sflag:s29], $0x1  }
0xb5: {  	[sflag:s29] =	ssyncadd.s32 $0xFFFFFFFF  }
0xb6: {  	_ =	strace $0x9000004B  }
0xb7: {  	_ =	sfence  }
0xb8: {  	s30 =	sld [smem:$0x0];
	_ =	sdelay $0x2  }
0xb9: {  	s31 =	sshll.u32 s1, $0xD;
	s1 =	sshrl.u32 s1, $0x2  }
0xba: {  	s3 =	sand.u32 $0x4000, s31;
	s1 =	sadd.s32 s1, s30  }
0xbb: {  	s0 =	sor.u32 s3, s0;
	s1 =	sshll.u32 s1, $0x11  }
0xbc: {  	s0 =	sor.u32 s1, s0  }
0xbd: {  	s0 =	sadd.s32 $0x8F2B, s0  }
0xbe: {  	[sflag:s0] =	ssyncadd.remote.s32 $0x1  }
0xbf: {  	_ =	sfence.sel $0xFFFF  }
0xc0: {  	[dreg:$0x0] =	wrdreg $0xFFFFFFFF;
	(pc) =	sbr.abs _section_cstart, $3  }
0xc1: {  	[dreg:$0x1] =	wrdreg $0xFFFFFFFF  }
0xc2: {  	_ =	task.clear_ibuf [dreg:s7], $0x2FFFF;
	_ =	strace $0x9FFFFFFF  }
0xc3: {  	(tm) =	ssettm $0x7FFFFFFF  }
tec
execute0_lowered:
.L_overlay_start_1:
0x0: {  	(tag) =	ssettag $0x1  }
0x1: {  	s0 =	rddreg [dreg:$0x0]  }
0x2: {  	s1 =	rddreg [dreg:$0x1]  }
0x3: {  	s2 =	rddreg [dreg:$0x2];
	s3 =	srdreg.scid  }
0x4: {  	s4 =	simm.s32 $0x0;
	s18 =	simm.s32 $0x2;
	s19 =	simm.s32 $0x2800  }
0x5: {  	s20 =	simm.s32 $0x9180;
	s21 =	simm.s32 $0x5180;
	s22 =	simm.s32 $0x5000  }
0x6: {  	s23 =	simm.s32 $0x5080;
	s24 =	simm.s32 $0x80;
	s25 =	simm.s32 $0x1  }
0x7: {  	s26 =	simm.s32 $0x5100;
	s10 =	sand.u32 $0x1, s3;
	s3 =	stileid.u32  }
0x8: {  	[smem:$0x7FF] =	sst s4;
	s5 =	sadd.s32 $0x1E00, s0;
	s8 =	smul.u32 $0x140000, s10  }
0x9: {  	s6 =	sadd.s32 $0x2A000, s0;
	s7 =	sadd.s32 $0x2A600, s0;
	s9 =	smul.u32 $0x14000, s3  }
0xa: {  	_ =	strace $0x8000004A;
	s31 =	ssub.s32 $0x2, s10;
	s14 =	sshll.u32 s10, $0x4  }
0xb: {  	s12 =	smul.u32 $0x50000, s3;
	s13 =	sshrl.u32 s31, $0x1;
	s15 =	sor.u32 s3, s14  }
0xc: {  	s11 =	sadd.s32 s9, s8;
	s8 =	sadd.s32 $0x7AC00, s0;
	s9 =	sadd.s32 $0x29E00, s0  }
0xd: {  	s12 =	sshrl.u32 s12, $0x2;
	s17 =	ssub.s32 s31, s13;
	s15 =	smul.u32 $0x4F, s15  }
0xe: {  	s11 =	sshrl.u32 s11, $0x3;
	s10 =	sadd.s32 s12, s2;
	s17 =	smax.u32 s17, $0x1  }
0xf: {  	s0 =	sadd.s32 s11, s0;
	s11 =	sadd.s32 $0x4000, s10;
	s12 =	sadd.s32 $0x8000, s10  }
0x10: {  	v0 =	vimm.f32 $0.0e+00;
	s13 =	sadd.s32 $0xC000, s10;
	s14 =	sadd.s32 $0x10000, s10;
	s16 =	sadd.s32 $0x84A00, s0  }
.LBB2_1:
0x11: {  	s0 =	simm.s32 $0x0;
	s28 =	simm.s32 $0x200  }
.LBB2_2:
0x12: {  	p0 =	sne.s32 s28, $0xFE00;
	[tilespmem:s0+$0x51F0] =	vst v0  }
0x13: {  	[tilespmem:s0+$0x5180] =	vst v0  }
0x14: {  	[tilespmem:s0+$0x5190] =	vst v0  }
.Ltmp0:
0x15: {  	[tilespmem:s0+$0x51A0] =	vst v0;
	(pc) =	sbr.rel @p0 .LBB2_2-.Ltmp0, $4  }
0x16: {  	[tilespmem:s0+$0x51B0] =	vst v0  }
0x17: {  	[tilespmem:s0+$0x51C0] =	vst v0  }
0x18: {  	[tilespmem:s0+$0x51D0] =	vst v0  }
0x19: {  	[tilespmem:s0+$0x51E0] =	vst v0;
	s0 =	sshra.s32 s28, $0x2;
	s28 =	sadd.s32 $0x200, s28  }
0x1a: {  	[tilespmem:s0+$0x51F0] =	vst v0  }
0x1b: {  	[tilespmem:s0+$0x5180] =	vst v0  }
0x1c: {  	[tilespmem:s0+$0x5190] =	vst v0  }
0x1d: {  	[tilespmem:s0+$0x51A0] =	vst v0  }
0x1e: {  	[tilespmem:s0+$0x51B0] =	vst v0  }
0x1f: {  	[tilespmem:s0+$0x51C0] =	vst v0  }
0x20: {  	[tilespmem:s0+$0x51D0] =	vst v0  }
0x21: {  	[tilespmem:s0+$0x51E0] =	vst v0;
	s28 =	simm.s32 $0x0  }
0x22: {  	[tilespmem:s28], [sflag:$0x2] =	stream.linear.gather [hbm4b:s6+s28], $0x2800, $0x38;
	[tilespmem:$0x1D200] =	vst v63  }
0x23: {  	_ =	swait.ge [sflag:s18], $0x2800  }
0x24: {  	[sflag:s18] =	ssyncset.done $0x0  }
0x25: {  	[sflag:s18] =	ssyncadd.s32 $0xFFFFD800  }
0x26: {  	[tilespmem:s19], [sflag:$0x2] =	stream.linear.gather [hbm4b:s7+s28], $0x2800, $0x38;
	[tilespmem:$0x1D200] =	vst v63  }
0x27: {  	_ =	swait.ge [sflag:s18], $0x2800  }
0x28: {  	[sflag:s18] =	ssyncset.done $0x0  }
0x29: {  	[sflag:s18] =	ssyncadd.s32 $0xFFFFD800  }
0x2a: {  	[tilespmem:s20], [sflag:$0x2] =	stream.linear.gather [hbm4b:s9+s28], $0x10, $0x38;
	[tilespmem:$0x1D200] =	vst v63  }
0x2b: {  	_ =	swait.ge [sflag:s18], $0x10  }
0x2c: {  	[sflag:s18] =	ssyncset.done $0x0  }
0x2d: {  	[sflag:s18] =	ssyncadd.s32 $0xFFFFFFF0  }
0x2e: {  	[spmem:s10] =	stream.linear.scatter [tilespmem:s21], [sflag:$0x2], $0x4000, $0x38;
	[tilespmem:$0x1D200] =	vst v63  }
0x2f: {  	_ =	swait.ge [sflag:s18], $0x4000  }
0x30: {  	[sflag:s18] =	ssyncset.done $0x0  }
0x31: {  	[sflag:s18] =	ssyncadd.s32 $0xFFFFC000  }
0x32: {  	[spmem:s11] =	stream.linear.scatter [tilespmem:s21], [sflag:$0x2], $0x4000, $0x38;
	[tilespmem:$0x1D200] =	vst v63  }
0x33: {  	_ =	swait.ge [sflag:s18], $0x4000  }
0x34: {  	[sflag:s18] =	ssyncset.done $0x0  }
0x35: {  	[sflag:s18] =	ssyncadd.s32 $0xFFFFC000  }
0x36: {  	[spmem:s12] =	stream.linear.scatter [tilespmem:s21], [sflag:$0x2], $0x4000, $0x38;
	[tilespmem:$0x1D200] =	vst v63  }
0x37: {  	_ =	swait.ge [sflag:s18], $0x4000  }
0x38: {  	[sflag:s18] =	ssyncset.done $0x0  }
0x39: {  	[sflag:s18] =	ssyncadd.s32 $0xFFFFC000  }
0x3a: {  	[spmem:s13] =	stream.linear.scatter [tilespmem:s21], [sflag:$0x2], $0x4000, $0x38;
	[tilespmem:$0x1D200] =	vst v63  }
0x3b: {  	_ =	swait.ge [sflag:s18], $0x4000  }
0x3c: {  	[sflag:s18] =	ssyncset.done $0x0  }
0x3d: {  	[sflag:s18] =	ssyncadd.s32 $0xFFFFC000  }
0x3e: {  	[spmem:s14] =	stream.linear.scatter [tilespmem:s21], [sflag:$0x2], $0x4000, $0x38;
	[tilespmem:$0x1D200] =	vst v63  }
0x3f: {  	_ =	swait.ge [sflag:s18], $0x4000  }
0x40: {  	[sflag:s18] =	ssyncset.done $0x0  }
0x41: {  	[sflag:s18] =	ssyncadd.s32 $0xFFFFC000  }
0x42: {  	[bflag:$0x0] =	sbarrier.arrive $0xFFFF  }
0x43: {  	s29 =	simm.s32 $0x0;
	v1 =	vld [tilespmem:$0x9180]  }
.LBB2_4:
0x44: {  	s0 =	sadd.s32 s15, s29  }
0x45: {  	s0 =	sshll.u32 s0, $0x4  }
0x46: {  	s30 =	sadd.s32 s1, s0  }
0x47: {  	[tilespmem:s22], [sflag:$0x2] =	stream.linear.gather [hbm4b:s30+s28], $0x80, $0x38;
	[tilespmem:$0x1D200] =	vst v63  }
0x48: {  	_ =	swait.ge [sflag:s18], $0x80  }
0x49: {  	[sflag:s18] =	ssyncset.done $0x0  }
0x4a: {  	s0 =	sadd.s32 s8, s0;
	[sflag:s18] =	ssyncadd.s32 $0xFFFFFF80  }
0x4b: {  	[tilespmem:s23], [sflag:$0x2] =	stream.linear.gather [hbm4b:s0+s28], $0x80, $0x38;
	[tilespmem:$0x1D200] =	vst v63  }
0x4c: {  	_ =	swait.ge [sflag:s18], $0x80  }
0x4d: {  	[sflag:s18] =	ssyncset.done $0x0  }
0x4e: {  	[sflag:s18] =	ssyncadd.s32 $0xFFFFFF80  }
0x4f: {  	[tilespmem:s21], [sflag:$0x1] =	stream.indirect.gather [hbm4b:s5+s24], $0x80, s22, s24, $0xb8;
	[tilespmem:$0x1D200] =	vst v63  }
0x50: {  	v2 =	vld [tilespmem:$0x5000]  }
0x51: {  	v3 =	vld [tilespmem:$0x5080];
	_ =	sdelay $0x6  }
0x52: {  	v2 =	vld.idx.msk [tilespmem:v2+s28+$0x0], $0xffff  }
0x53: {  	v3 =	vld.idx.msk [tilespmem:v3+s19+$0x0], $0xffff;
	_ =	sdelay $0x4  }
0x54: {  	v2 =	vadd.f32 v3, v2;
	_ =	sdelay $0x1  }
0x55: {  	v3 =	vmul.f32 $2.000000030e-01, v2  }
0x56: {  	vm0 =	vge.f32 v2, $0.0e+00  }
0x57: {  	v2 =	vsel vm0, v2, v3  }
0x58: {  	v2 =	vsub.f32 v2, v1;
	_ =	sdelay $0x1  }
0x59: {  	v2 =	vmul.f32 $1.442695020e+00, v2;
	_ =	sdelay $0x1  }
0x5a: {  	(erf) = vpow2.f32 v2;
	_ =	sdelay $0x2  }
0x5b: {  	v2 =	vld [tilespmem:$0x5010]  }
0x5c: {  	v3 =	vld [tilespmem:$0x5090];
	_ =	sdelay $0x4  }
0x5d: {  	v4 =	vpop (erf)  }
0x5e: {  	[tilespmem:$0x5100] =	vst v4  }
0x5f: {  	v2 =	vld.idx.msk [tilespmem:v2+s28+$0x0], $0xffff  }
0x60: {  	v3 =	vld.idx.msk [tilespmem:v3+s19+$0x0], $0xffff;
	_ =	sdelay $0x4  }
0x61: {  	v2 =	vadd.f32 v3, v2;
	_ =	sdelay $0x1  }
0x62: {  	v3 =	vmul.f32 $2.000000030e-01, v2  }
0x63: {  	vm9 =	vge.f32 v2, $0.0e+00  }
0x64: {  	v2 =	vsel vm9, v2, v3  }
0x65: {  	v2 =	vsub.f32 v2, v1;
	_ =	sdelay $0x1  }
0x66: {  	v2 =	vmul.f32 $1.442695020e+00, v2;
	_ =	sdelay $0x1  }
0x67: {  	(erf) = vpow2.f32 v2;
	_ =	sdelay $0x2  }
0x68: {  	v2 =	vld [tilespmem:$0x5020]  }
0x69: {  	v3 =	vld [tilespmem:$0x50A0];
	_ =	sdelay $0x4  }
0x6a: {  	v4 =	vpop (erf)  }
0x6b: {  	[tilespmem:$0x5110] =	vst v4  }
0x6c: {  	v2 =	vld.idx.msk [tilespmem:v2+s28+$0x0], $0xffff  }
0x6d: {  	v3 =	vld.idx.msk [tilespmem:v3+s19+$0x0], $0xffff;
	_ =	sdelay $0x4  }
0x6e: {  	v2 =	vadd.f32 v3, v2;
	_ =	sdelay $0x1  }
0x6f: {  	v3 =	vmul.f32 $2.000000030e-01, v2  }
0x70: {  	vm10 =	vge.f32 v2, $0.0e+00  }
0x71: {  	v2 =	vsel vm10, v2, v3  }
0x72: {  	v2 =	vsub.f32 v2, v1;
	_ =	sdelay $0x1  }
0x73: {  	v2 =	vmul.f32 $1.442695020e+00, v2;
	_ =	sdelay $0x1  }
0x74: {  	(erf) = vpow2.f32 v2;
	_ =	sdelay $0x2  }
0x75: {  	v2 =	vld [tilespmem:$0x5030]  }
0x76: {  	v3 =	vld [tilespmem:$0x50B0];
	_ =	sdelay $0x4  }
0x77: {  	v4 =	vpop (erf)  }
0x78: {  	[tilespmem:$0x5120] =	vst v4  }
0x79: {  	v2 =	vld.idx.msk [tilespmem:v2+s28+$0x0], $0xffff  }
0x7a: {  	v3 =	vld.idx.msk [tilespmem:v3+s19+$0x0], $0xffff;
	_ =	sdelay $0x4  }
0x7b: {  	v2 =	vadd.f32 v3, v2;
	_ =	sdelay $0x1  }
0x7c: {  	v3 =	vmul.f32 $2.000000030e-01, v2  }
0x7d: {  	vm11 =	vge.f32 v2, $0.0e+00  }
0x7e: {  	v2 =	vsel vm11, v2, v3  }
0x7f: {  	v2 =	vsub.f32 v2, v1;
	_ =	sdelay $0x1  }
0x80: {  	v2 =	vmul.f32 $1.442695020e+00, v2;
	_ =	sdelay $0x1  }
0x81: {  	(erf) = vpow2.f32 v2;
	_ =	sdelay $0x2  }
0x82: {  	v2 =	vld [tilespmem:$0x5040]  }
0x83: {  	v3 =	vld [tilespmem:$0x50C0];
	_ =	sdelay $0x4  }
0x84: {  	v4 =	vpop (erf)  }
0x85: {  	[tilespmem:$0x5130] =	vst v4  }
0x86: {  	v2 =	vld.idx.msk [tilespmem:v2+s28+$0x0], $0xffff  }
0x87: {  	v3 =	vld.idx.msk [tilespmem:v3+s19+$0x0], $0xffff;
	_ =	sdelay $0x4  }
0x88: {  	v2 =	vadd.f32 v3, v2;
	_ =	sdelay $0x1  }
0x89: {  	v3 =	vmul.f32 $2.000000030e-01, v2  }
0x8a: {  	vm12 =	vge.f32 v2, $0.0e+00  }
0x8b: {  	v2 =	vsel vm12, v2, v3  }
0x8c: {  	v2 =	vsub.f32 v2, v1;
	_ =	sdelay $0x1  }
0x8d: {  	v2 =	vmul.f32 $1.442695020e+00, v2;
	_ =	sdelay $0x1  }
0x8e: {  	(erf) = vpow2.f32 v2;
	_ =	sdelay $0x2  }
0x8f: {  	v2 =	vld [tilespmem:$0x5050]  }
0x90: {  	v3 =	vld [tilespmem:$0x50D0];
	_ =	sdelay $0x4  }
0x91: {  	v4 =	vpop (erf)  }
0x92: {  	[tilespmem:$0x5140] =	vst v4  }
0x93: {  	v2 =	vld.idx.msk [tilespmem:v2+s28+$0x0], $0xffff  }
0x94: {  	v3 =	vld.idx.msk [tilespmem:v3+s19+$0x0], $0xffff;
	_ =	sdelay $0x4  }
0x95: {  	v2 =	vadd.f32 v3, v2;
	_ =	sdelay $0x1  }
0x96: {  	v3 =	vmul.f32 $2.000000030e-01, v2  }
0x97: {  	vm13 =	vge.f32 v2, $0.0e+00  }
0x98: {  	v2 =	vsel vm13, v2, v3  }
0x99: {  	v2 =	vsub.f32 v2, v1;
	_ =	sdelay $0x1  }
0x9a: {  	v2 =	vmul.f32 $1.442695020e+00, v2;
	_ =	sdelay $0x1  }
0x9b: {  	(erf) = vpow2.f32 v2;
	_ =	sdelay $0x2  }
0x9c: {  	v2 =	vld [tilespmem:$0x5060]  }
0x9d: {  	v3 =	vld [tilespmem:$0x50E0];
	_ =	sdelay $0x4  }
0x9e: {  	v4 =	vpop (erf)  }
0x9f: {  	[tilespmem:$0x5150] =	vst v4  }
0xa0: {  	v2 =	vld.idx.msk [tilespmem:v2+s28+$0x0], $0xffff  }
0xa1: {  	v3 =	vld.idx.msk [tilespmem:v3+s19+$0x0], $0xffff;
	_ =	sdelay $0x4  }
0xa2: {  	v2 =	vadd.f32 v3, v2;
	_ =	sdelay $0x1  }
0xa3: {  	v3 =	vmul.f32 $2.000000030e-01, v2  }
0xa4: {  	vm14 =	vge.f32 v2, $0.0e+00  }
0xa5: {  	v2 =	vsel vm14, v2, v3  }
0xa6: {  	v2 =	vsub.f32 v2, v1;
	_ =	sdelay $0x1  }
0xa7: {  	v2 =	vmul.f32 $1.442695020e+00, v2;
	_ =	sdelay $0x1  }
0xa8: {  	(erf) = vpow2.f32 v2;
	_ =	sdelay $0x2  }
0xa9: {  	v2 =	vld [tilespmem:$0x5070]  }
0xaa: {  	v3 =	vld [tilespmem:$0x50F0];
	_ =	sdelay $0x4  }
0xab: {  	v4 =	vpop (erf)  }
0xac: {  	[tilespmem:$0x5160] =	vst v4  }
0xad: {  	v2 =	vld.idx.msk [tilespmem:v2+s28+$0x0], $0xffff  }
0xae: {  	v3 =	vld.idx.msk [tilespmem:v3+s19+$0x0], $0xffff;
	_ =	sdelay $0x4  }
0xaf: {  	v2 =	vadd.f32 v3, v2;
	_ =	sdelay $0x1  }
0xb0: {  	v3 =	vmul.f32 $2.000000030e-01, v2  }
0xb1: {  	vm15 =	vge.f32 v2, $0.0e+00  }
0xb2: {  	v2 =	vsel vm15, v2, v3  }
0xb3: {  	v2 =	vsub.f32 v2, v1;
	_ =	sdelay $0x1  }
0xb4: {  	v2 =	vmul.f32 $1.442695020e+00, v2;
	_ =	sdelay $0x1  }
0xb5: {  	(erf) = vpow2.f32 v2;
	_ =	sdelay $0x8  }
0xb6: {  	v2 =	vpop (erf)  }
0xb7: {  	[tilespmem:$0x5170] =	vst v2  }
0xb8: {  	v2 =	vmov s28;
	_ =	swait.ge [sflag:s25], $0x4000  }
0xb9: {  	[sflag:s25] =	ssyncset.done $0x0  }
0xba: {  	s30 =	simm.s32 $0x51A0;
	[sflag:s25] =	ssyncadd.s32 $0xFFFFC000  }
0xbb: {  	v3 =	vld [tilespmem:s30+$0xFFFFFFF0]  }
0xbc: {  	v4 =	vld [tilespmem:s30+$0x10]  }
0xbd: {  	v7 =	vld.idx.msk [tilespmem:v2+s26+$0x0], $0xffff  }
0xbe: {  	v2 =	vld [tilespmem:s30+$0xFFFFFFE0]  }
0xbf: {  	v6 =	vld [tilespmem:s30+$0x0]  }
0xc0: {  	v8 =	vld [tilespmem:s30+$0x20];
	_ =	sdelay $0x2  }
0xc1: {  	v9 =	vmul.f32 v2, v7  }
0xc2: {  	s0 =	simm.s32 $0x1;
	v5 =	vmul.f32 v3, v7;
	v6 =	vmul.f32 v6, v7  }
0xc3: {  	s31 =	simm.s32 $0x51A0;
	v3 =	vmul.f32 v4, v7;
	v2 =	vmov s0;
	s0 =	simm.s32 $0x2;
	v4 =	vmul.f32 v8, v7;
	[tilespmem:s30+$0xFFFFFFE0] =	vst v9  }
.LBB2_5:
0xc4: {  	p0 =	sne.s32 s0, $0x7F;
	[tilespmem:s30+$0xFFFFFFF0] =	vst v5  }
0xc5: {  	s30 =	sadd.s32 $0x80, s30;
	[tilespmem:s31+$0x0] =	vst v6  }
0xc6: {  	v5 =	vld [tilespmem:s30+$0xFFFFFFF0];
	[tilespmem:s31+$0x10] =	vst v3  }
0xc7: {  	v3 =	vld [tilespmem:s30+$0x10];
	[tilespmem:s31+$0x20] =	vst v4;
	s31 =	smov.u32 s30  }
0xc8: {  	v4 =	vld.idx.msk [tilespmem:v2+s26+$0x0], $0xffff  }
0xc9: {  	v2 =	vld [tilespmem:s30+$0xFFFFFFE0]  }
0xca: {  	v6 =	vld [tilespmem:s30+$0x0]  }
0xcb: {  	v7 =	vld [tilespmem:s30+$0x20]  }
.Ltmp1:
0xcc: {  	(pc) =	sbr.rel @p0 .LBB2_5-.Ltmp1, $4  }
0xcd: {  	_ = 	snop  }
0xce: {  	v5 =	vmul.f32 v5, v4;
	v8 =	vmul.f32 v2, v4  }
0xcf: {  	v3 =	vmul.f32 v3, v4;
	v6 =	vmul.f32 v6, v4  }
0xd0: {  	v2 =	vmov s0;
	s0 =	sadd.s32 $0x1, s0;
	[tilespmem:s30+$0xFFFFFFE0] =	vst v8;
	v4 =	vmul.f32 v7, v4  }
0xd1: {  	[tilespmem:s30+$0xFFFFFFF0] =	vst v5  }
0xd2: {  	s0 =	sadd.s32 $0x80, s30;
	[tilespmem:s31+$0x0] =	vst v6  }
0xd3: {  	v5 =	vld [tilespmem:s0+$0xFFFFFFF0];
	[tilespmem:s31+$0x10] =	vst v3  }
0xd4: {  	v3 =	vld [tilespmem:s0+$0x10]  }
0xd5: {  	[tilespmem:s31+$0x20] =	vst v4;
	v63 =	vld [tilespmem:s0+$0xFFFFFFE0]  }
0xd6: {  	v2 =	vld.idx.msk [tilespmem:v2+s26+$0x0], $0xffff;
	_ =	sdelay $0x1  }
0xd7: {  	v6 =	vld [tilespmem:s0+$0x0];
	_ =	sdelay $0x1  }
0xd8: {  	v7 =	vld [tilespmem:s0+$0x20]  }
0xd9: {  	v4 =	vmul.f32 v63, v2  }
0xda: {  	v5 =	vmul.f32 v5, v2  }
0xdb: {  	v6 =	vmul.f32 v6, v2;
	[tilespmem:s0+$0xFFFFFFE0] =	vst v4  }
0xdc: {  	v3 =	vmul.f32 v3, v2;
	[tilespmem:s0+$0xFFFFFFF0] =	vst v5  }
0xdd: {  	s29 =	sadd.s32 $0x1, s29;
	v2 =	vmul.f32 v7, v2;
	[tilespmem:s0+$0x0] =	vst v6  }
0xde: {  	p0 =	sne.s32 s29, $0x4F;
	[tilespmem:s0+$0x10] =	vst v3  }
.Ltmp2:
0xdf: {  	[tilespmem:s0+$0x20] =	vst v2;
	(pc) =	sbr.rel @p0 .LBB2_4-.Ltmp2, $4  }
0xe0: {  	[spmem:s2] =	stream.indirect.scatter.add.f32 [tilespmem:s21], [sflag:$0x2], $0x80, s23, s24, $0xb8;
	[tilespmem:$0x1D200] =	vst v63  }
0xe1: {  	_ =	swait.ge [sflag:s18], $0x4000  }
0xe2: {  	[sflag:s18] =	ssyncset.done $0x0  }
0xe3: {  	[sflag:s18] =	ssyncadd.s32 $0xFFFFC000  }
0xe4: {  	s4 =	sadd.s32 $0x1, s4  }
0xe5: {  	s0 =	sshll.u32 s3, $0x6;
	[bflag:$0x0] =	sbarrier.arrive $0xFFFF;
	p0 =	sne.s32 s4, s17  }
.Ltmp3:
0xe6: {  	s28 =	sshrl.u32 s10, $0x3;
	s0 =	sor.u32 $0x1C02, s0;
	(pc) =	sbr.rel @p0 .LBB2_1-.Ltmp3, $4  }
0xe7: {  	[hbm:s16], [sflag:s0] =	dma.local [spmem:s28], $0x2800  }
0xe8: {  	_ =	swait.ge [sflag:s18], $0x2800  }
0xe9: {  	[sflag:s18] =	ssyncset.done $0x0  }
0xea: {  	[sflag:s18] =	ssyncadd.s32 $0xFFFFD800  }
0xeb: {  	_ =	sfence.sel $0x180000  }
0xec: {  	[bflag:$0x0] =	sbarrier.arrive $0xFFFF  }
0xed: {  	_ =	strace $0x9000004A  }
0xee: {  	[bflag:$0x2] =	sbarrier.arrive $0xFFFF  }
0xef: {  	p0 =	sne.s32 s3, $0x0;
	s0 =	rddreg [dreg:$0x3]  }
0xf0: {  	s0 =	sadd.s32 @!p0 $0x100000, s0  }
0xf1: {  	[sflag:s0] =	ssyncadd.tile.s32 @!p0 $0x1;
	_ =	shalt  }
.Lfunc_end2:
_tile_overlayer_lowered:
.L_overlay_start_2:
0xf2: {  	(tag) =	ssettag $0x2  }
0xf3: {  	s0 =	rddreg [dreg:$0x0];
	s2 =	stileid.u32  }
0xf4: {  	s1 =	rddreg [dreg:$0x1];
	p0 =	sne.s32 s2, $0x0  }
0xf5: {  	s3 =	rddreg [dreg:$0x2];
	[bflag:$0x3] =	sbarrier.arrive $0xFFFF;
	s2 =	simm.s32 @!p0 $0x1C02  }
0xf6: {  	[timem:s3], [sflag:s2] =	dma.local @!p0 [hbm:s0], s1  }
0xf7: {  	s0 =	simm.s32 @!p0 $0x2  }
0xf8: {  	_ =	swait.ge @!p0 [sflag:s0], s1  }
0xf9: {  	s1 =	ssub.s32 @!p0 $0x0, s1;
	[sflag:s0] =	ssyncset.done @!p0 $0x0  }
0xfa: {  	[sflag:s0] =	ssyncadd.s32 @!p0 s1  }
0xfb: {  	[bflag:$0x3] =	sbarrier.arrive $0xFFFF  }
0xfc: {  	_ =	shalt  }

// kernel: kernel.7.cloned.1.call-start
scs
__scs_entry_jumppad:
0x0: {  	(pc) =	sbr.rel $0x88, $3  }
0x1: {  	(tag) =	ssettag $0x0;
	lr =	simm.s32 $0x1  }
0x2: {  	[smem:$0x3F97] =	sst lr;
	_ =	strace $0xD0000000  }
0x3: {  	_ = 	snop  }
0x4: {  	_ = 	snop  }
0x5: {  	_ = 	snop  }
0x6: {  	_ = 	snop  }
0x7: {  	_ = 	snop  }
__scs_overlays_trampoline_lowered:
0x8: {  	[smem:$0x3FA6] =	sst s0  }
0x9: {  	[smem:$0x3FA7] =	sst s1  }
0xa: {  	[smem:$0x3FA8] =	sst s2  }
0xb: {  	[smem:$0x3FA9] =	sst s3  }
0xc: {  	[smem:$0x3FAA] =	sst s4  }
0xd: {  	[smem:$0x3FAB] =	sst s5  }
0xe: {  	[smem:$0x3FAC] =	sst s6  }
0xf: {  	[smem:$0x3FAD] =	sst s7  }
0x10: {  	[smem:$0x3FAE] =	sst s8  }
0x11: {  	[smem:$0x3FAF] =	sst s9;
	s0 =	simm.s32 @!p0 $0x0  }
0x12: {  	s1 =	sld [smem:$0x3F95];
	s0 =	simm.s32 @p0 $0x1  }
0x13: {  	[smem:$0x3FB0] =	sst s0;
	s0 =	simm.s32 @!p1 $0x0  }
0x14: {  	s2 =	sld [smem:$0x3F94];
	s0 =	simm.s32 @p1 $0x1  }
0x15: {  	[smem:$0x3FB1] =	sst s0;
	s0 =	simm.s32 @!p2 $0x0  }
0x16: {  	s3 =	sld [smem:$0x3FDB];
	s0 =	simm.s32 @p2 $0x1  }
0x17: {  	s4 =	simm.s32 $0x1BF5;
	[smem:$0x3FB3] =	sst s0  }
0x18: {  	s0 =	sld [smem:$0x3F96];
	_ =	swait.ge [sflag:s4], $0x0  }
0x19: {  	s7 =	sld [smem:$0x3F97]  }
0x1a: {  	s8 =	sadd.s32 $0xFFFFE003, lr  }
0x1b: {  	s9 =	sadd.s32 $0xFFFFFEF7, lr;
	s5 =	simm.s32 $0xFFFFFFFF;
	p2 =	slt.u32 s8, $0xFFFFF086  }
0x1c: {  	p1 =	slt.u32 s9, $0xF7A;
	s5 =	simm.s32 @!p2 $0x0  }
0x1d: {  	s5 =	simm.s32 @p1 $0x1;
	p0 =	seq.s32 s7, s2  }
0x1e: {  	s7 =	smul.u32 @!p0 $0xF7A, s2;
	p2 =	seq.s32 @!p0 s5, $0x0  }
0x1f: {  	s9 =	smul.u32 $0xF7A, s1;
	s8 =	simm.s32 @!p0 $0x1BF5;
	p2 =	por !p2, p0  }
0x20: {  	[sflag:s8] =	ssyncset.s32 @!p0 $0xFFFFF086;
	s6 =	sadd.s32 @!p0 s3, s7;
	s7 =	simm.s32 @!p0 $0x108  }
0x21: {  	s3 =	sadd.s32 s3, s9;
	s6 =	sadd.s32 @!p0 $0x88, s6;
	s7 =	simm.s32 @p2 $0x1082  }
0x22: {  	[simem:s7], [sflag:s8] =	dma.local @!p0 [hbm:s6], $0xF7A  }
0x23: {  	s9 =	sor.u32 $0xD0000000, s2;
	s6 =	simm.s32 $0x108;
	_ =	swait.ge @!p0 [sflag:s8], $0x0  }
0x24: {  	s3 =	sadd.s32 $0x88, s3;
	s6 =	simm.s32 @!p1 $0x1082;
	[sflag:s4] =	ssyncset.s32 $0xFFFFF086  }
0x25: {  	[simem:s6], [sflag:s4] =	dma.local [hbm:s3], $0xF7A  }
0x26: {  	[smem:$0x3F97] =	sst s1;
	(tag) =	ssettag s2;
	_ =	strace s9  }
0x27: {  	s1 =	sld [smem:$0x3FA7]  }
0x28: {  	s2 =	sld [smem:$0x3FA8]  }
0x29: {  	s4 =	sld [smem:$0x3FAA]  }
0x2a: {  	p0 =	seq.s32 s5, $0x0;
	s5 =	sld [smem:$0x3FAB]  }
0x2b: {  	s6 =	sld [smem:$0x3FAC]  }
0x2c: {  	s7 =	sld [smem:$0x3FAD]  }
0x2d: {  	s3 =	simm.s32 $0x108;
	s8 =	sld [smem:$0x3FAE]  }
0x2e: {  	s3 =	simm.s32 @!p0 $0x1082;
	s9 =	sld [smem:$0x3FAF]  }
0x2f: {  	lr =	sadd.s32 s0, s3;
	s0 =	sld [smem:$0x3FA6]  }
0x30: {  	s3 =	sld [smem:$0x3FA9]  }
0x31: {  	[smem:$0x3FB2] =	sst s10  }
0x32: {  	s10 =	sld [smem:$0x3FB0];
	_ =	sdelay $0x3  }
0x33: {  	p0 =	seq.s32 s10, $0x1;
	s10 =	sld [smem:$0x3FB2];
	_ =	sdelay $0x3  }
0x34: {  	[smem:$0x3FB2] =	sst s10  }
0x35: {  	s10 =	sld [smem:$0x3FB1];
	_ =	sdelay $0x3  }
0x36: {  	p1 =	seq.s32 s10, $0x1;
	s10 =	sld [smem:$0x3FB2];
	_ =	sdelay $0x3  }
0x37: {  	[smem:$0x3FB2] =	sst s10  }
0x38: {  	s10 =	sld [smem:$0x3FB3]  }
0x39: {  	_ = 	snop;
	(pc) =	sbr.ind lr, $3  }
0x3a: {  	_ = 	snop  }
0x3b: {  	_ = 	snop  }
0x3c: {  	p2 =	seq.s32 s10, $0x1;
	s10 =	sld [smem:$0x3FB2]  }
0x3d: {  	_ =	shalt  }
0x3e: {  	_ =	shalt  }
0x3f: {  	_ =	shalt  }
0x40: {  	_ =	shalt  }
0x41: {  	_ =	shalt  }
0x42: {  	_ =	shalt  }
0x43: {  	_ =	shalt  }
0x44: {  	_ =	shalt  }
0x45: {  	_ =	shalt  }
0x46: {  	_ =	shalt  }
0x47: {  	_ =	shalt  }
0x48: {  	_ =	shalt  }
0x49: {  	_ =	shalt  }
0x4a: {  	_ =	shalt  }
0x4b: {  	_ =	shalt  }
0x4c: {  	_ =	shalt  }
0x4d: {  	_ =	shalt  }
0x4e: {  	_ =	shalt  }
0x4f: {  	_ =	shalt  }
0x50: {  	_ =	shalt  }
0x51: {  	_ =	shalt  }
0x52: {  	_ =	shalt  }
0x53: {  	_ =	shalt  }
0x54: {  	_ =	shalt  }
0x55: {  	_ =	shalt  }
0x56: {  	_ =	shalt  }
0x57: {  	_ =	shalt  }
0x58: {  	_ =	shalt  }
0x59: {  	_ =	shalt  }
0x5a: {  	_ =	shalt  }
0x5b: {  	_ =	shalt  }
0x5c: {  	_ =	shalt  }
0x5d: {  	_ =	shalt  }
0x5e: {  	_ =	shalt  }
0x5f: {  	_ =	shalt  }
0x60: {  	_ =	shalt  }
0x61: {  	_ =	shalt  }
0x62: {  	_ =	shalt  }
0x63: {  	_ =	shalt  }
0x64: {  	_ =	shalt  }
0x65: {  	_ =	shalt  }
0x66: {  	_ =	shalt  }
0x67: {  	_ =	shalt  }
0x68: {  	_ =	shalt  }
0x69: {  	_ =	shalt  }
0x6a: {  	_ =	shalt  }
0x6b: {  	_ =	shalt  }
0x6c: {  	_ =	shalt  }
0x6d: {  	_ =	shalt  }
0x6e: {  	_ =	shalt  }
0x6f: {  	_ =	shalt  }
0x70: {  	_ =	shalt  }
0x71: {  	_ =	shalt  }
0x72: {  	_ =	shalt  }
0x73: {  	_ =	shalt  }
0x74: {  	_ =	shalt  }
0x75: {  	_ =	shalt  }
0x76: {  	_ =	shalt  }
0x77: {  	_ =	shalt  }
0x78: {  	_ =	shalt  }
0x79: {  	_ =	shalt  }
0x7a: {  	_ =	shalt  }
0x7b: {  	_ =	shalt  }
0x7c: {  	_ =	shalt  }
0x7d: {  	_ =	shalt  }
0x7e: {  	_ =	shalt  }
0x7f: {  	_ =	shalt  }
0x80: {  	_ =	shalt  }
0x81: {  	_ =	shalt  }
0x82: {  	_ =	shalt  }
0x83: {  	_ =	shalt  }
0x84: {  	_ =	shalt  }
0x85: {  	_ =	shalt  }
0x86: {  	_ =	shalt  }
0x87: {  	_ =	shalt  }
.Lfunc_end0:
.L_simem_size_0:
called_computation_lowered:
.L_overlay_start_0:
0x88: {  	s2 =	sld [smem:$0x3FD9]  }
0x89: {  	s3 =	sld [smem:$0x3FFE];
	_ =	sdelay $0x1  }
0x8a: {  	s1 =	srdreg.scid  }
0x8b: {  	s0 =	sand.u32 $0x1, s1  }
0x8c: {  	s17 =	sshll.u32 s0, $0xA;
	s2 =	sadd.s32 s3, s2  }
0x8d: {  	s2 =	sadd.s32 s2, s17  }
0x8e: {  	[smem:$0x3FBE] =	sst s2  }
0x8f: {  	_ = 	snop  }
0x90: {  	s2 =	sld [smem:$0x3FD0];
	(tm) =	ssettm $0x1  }
0x91: {  	s18 =	sld [smem:$0x3FFB];
	_ =	sdelay $0x3  }
0x92: {  	_ =	strace s18  }
0x93: {  	s3 =	sld [smem:$0x3FFC];
	_ =	sdelay $0x3  }
0x94: {  	_ =	strace s3  }
0x95: {  	s3 =	sld [smem:$0x3FFD];
	_ =	sdelay $0x3  }
0x96: {  	_ =	strace s3  }
0x97: {  	_ =	strace $0x8FFFFFFF  }
0x98: {  	s19 =	sld [smem:$0x3FDB];
	_ =	sdelay $0x1  }
0x99: {  	s4 =	simm.s32 $_scs_section_size  }
0x9a: {  	s5 =	simm.s32 $_size__tile_overlayer_lowered;
	s6 =	simm.s32 $_tile_overlayer_lowered  }
0x9b: {  	s22 =	simm.s32 $0x1BFF;
	s21 =	sshll.u32 s6, $0x1;
	s3 =	sadd.s32 s4, s19  }
0x9c: {  	s7 =	simm.s32 $0x0;
	s20 =	sshll.u32 s5, $0x1;
	s5 =	sadd.s32 s21, s3  }
0x9d: {  	[timem:s7], [sflag:s22] =	dma.local [hbm:s5], s20  }
0x9e: {  	_ =	swait.ge [sflag:s22], s20  }
0x9f: {  	s4 =	ssub.s32 $0x0, s20;
	[sflag:s22] =	ssyncset.done $0x0  }
0xa0: {  	[sflag:s22] =	ssyncadd.s32 s4;
	_ =	sdelay $0x1  }
0xa1: {  	s23 =	simm.s32 $0x1B8B  }
0xa2: {  	_ =	swait.ge [sflag:s23], $0x1  }
0xa3: {  	[sflag:s23] =	ssyncset.done $0x0  }
0xa4: {  	s25 =	simm.s32 $0x1B8E;
	s24 =	sld [smem:$0x3FFE];
	[sflag:s23] =	ssyncadd.s32 $0xFFFFFFFF  }
0xa5: {  	s26 =	simm.s32 $execute0_lowered;
	[smem:$0x3FD2] =	sst s25  }
0xa6: {  	s5 =	sshll.u32 s26, $0x1;
	_ =	strace $0x80000046;
	[dreg:$0x1] =	wrdreg $0xFFFFFFFF  }
0xa7: {  	s28 =	simm.s32 $_size_execute0_lowered;
	s3 =	sadd.s32 s3, s5;
	[dreg:$0x0] =	wrdreg $0x0  }
0xa8: {  	s5 =	sshll.u32 s28, $0x1;
	[dreg:$0x2] =	wrdreg s3  }
0xa9: {  	[dreg:$0x3] =	wrdreg s5  }
0xaa: {  	[dreg:$0x4] =	wrdreg $0xC0  }
0xab: {  	_ =	task [dreg:s7], $0x5FFFF  }
0xac: {  	[dreg:$0x1] =	wrdreg $0xFFFFFFFF  }
0xad: {  	[dreg:$0x0] =	wrdreg $0x60  }
0xae: {  	[dreg:$0x2] =	wrdreg s24  }
0xaf: {  	[dreg:$0x3] =	wrdreg s2  }
0xb0: {  	[dreg:$0x4] =	wrdreg $0x92000  }
0xb1: {  	[dreg:$0x5] =	wrdreg $0x9  }
0xb2: {  	_ =	task.clear_ibuf [dreg:s7], $0x6FFFF;
	_ =	strace $0x90000046  }
0xb3: {  	s29 =	simm.s32 $0x9;
	_ =	strace $0x80000048  }
0xb4: {  	_ =	swait.ge [sflag:s29], $0x1  }
0xb5: {  	[sflag:s29] =	ssyncadd.s32 $0xFFFFFFFF  }
0xb6: {  	_ =	strace $0x90000048  }
0xb7: {  	_ =	sfence  }
0xb8: {  	s30 =	sld [smem:$0x0];
	_ =	sdelay $0x2  }
0xb9: {  	s31 =	sshll.u32 s1, $0xD;
	s1 =	sshrl.u32 s1, $0x2  }
0xba: {  	s3 =	sand.u32 $0x4000, s31;
	s1 =	sadd.s32 s1, s30  }
0xbb: {  	s0 =	sor.u32 s3, s0;
	s1 =	sshll.u32 s1, $0x11  }
0xbc: {  	s0 =	sor.u32 s1, s0  }
0xbd: {  	s0 =	sadd.s32 $0x8F2B, s0  }
0xbe: {  	[sflag:s0] =	ssyncadd.remote.s32 $0x1  }
0xbf: {  	_ =	sfence.sel $0xFFFF  }
0xc0: {  	[dreg:$0x0] =	wrdreg $0xFFFFFFFF;
	(pc) =	sbr.abs _section_cstart, $3  }
0xc1: {  	[dreg:$0x1] =	wrdreg $0xFFFFFFFF  }
0xc2: {  	_ =	task.clear_ibuf [dreg:s7], $0x2FFFF;
	_ =	strace $0x9FFFFFFF  }
0xc3: {  	(tm) =	ssettm $0x7FFFFFFF  }
tec
execute0_lowered:
.L_overlay_start_1:
0x0: {  	(tag) =	ssettag $0x1  }
0x1: {  	s0 =	rddreg [dreg:$0x0]  }
0x2: {  	s1 =	rddreg [dreg:$0x1]  }
0x3: {  	s2 =	rddreg [dreg:$0x2];
	s3 =	srdreg.scid  }
0x4: {  	s4 =	simm.s32 $0x0;
	s18 =	simm.s32 $0x2;
	s19 =	simm.s32 $0x2800  }
0x5: {  	s20 =	simm.s32 $0x9180;
	s21 =	simm.s32 $0x5180;
	s22 =	simm.s32 $0x5000  }
0x6: {  	s23 =	simm.s32 $0x5080;
	s24 =	simm.s32 $0x80;
	s25 =	simm.s32 $0x1  }
0x7: {  	s26 =	simm.s32 $0x5100;
	s10 =	sand.u32 $0x1, s3;
	s3 =	stileid.u32  }
0x8: {  	[smem:$0x7FF] =	sst s4;
	s5 =	sadd.s32 $0x2000, s0;
	s8 =	smul.u32 $0x140000, s10  }
0x9: {  	s6 =	sadd.s32 $0x7A000, s0;
	s7 =	sadd.s32 $0x7A600, s0;
	s9 =	smul.u32 $0x14000, s3  }
0xa: {  	_ =	strace $0x80000047;
	s31 =	ssub.s32 $0x2, s10;
	s14 =	sshll.u32 s10, $0x4  }
0xb: {  	s12 =	smul.u32 $0x50000, s3;
	s13 =	sshrl.u32 s31, $0x1;
	s15 =	sor.u32 s3, s14  }
0xc: {  	s11 =	sadd.s32 s9, s8;
	s8 =	sadd.s32 $0x7AC00, s0;
	s9 =	sadd.s32 $0x1E00, s0  }
0xd: {  	s12 =	sshrl.u32 s12, $0x2;
	s17 =	ssub.s32 s31, s13;
	s15 =	smul.u32 $0x4F, s15  }
0xe: {  	s11 =	sshrl.u32 s11, $0x3;
	s10 =	sadd.s32 s12, s2;
	s17 =	smax.u32 s17, $0x1  }
0xf: {  	s0 =	sadd.s32 s11, s0;
	s11 =	sadd.s32 $0x4000, s10;
	s12 =	sadd.s32 $0x8000, s10  }
0x10: {  	v0 =	vimm.f32 $0.0e+00;
	s13 =	sadd.s32 $0xC000, s10;
	s14 =	sadd.s32 $0x10000, s10;
	s16 =	sadd.s32 $0x84A00, s0  }
.LBB2_1:
0x11: {  	s0 =	simm.s32 $0x0;
	s28 =	simm.s32 $0x200  }
.LBB2_2:
0x12: {  	p0 =	sne.s32 s28, $0xFE00;
	[tilespmem:s0+$0x51F0] =	vst v0  }
0x13: {  	[tilespmem:s0+$0x5180] =	vst v0  }
0x14: {  	[tilespmem:s0+$0x5190] =	vst v0  }
.Ltmp0:
0x15: {  	[tilespmem:s0+$0x51A0] =	vst v0;
	(pc) =	sbr.rel @p0 .LBB2_2-.Ltmp0, $4  }
0x16: {  	[tilespmem:s0+$0x51B0] =	vst v0  }
0x17: {  	[tilespmem:s0+$0x51C0] =	vst v0  }
0x18: {  	[tilespmem:s0+$0x51D0] =	vst v0  }
0x19: {  	[tilespmem:s0+$0x51E0] =	vst v0;
	s0 =	sshra.s32 s28, $0x2;
	s28 =	sadd.s32 $0x200, s28  }
0x1a: {  	[tilespmem:s0+$0x51F0] =	vst v0  }
0x1b: {  	[tilespmem:s0+$0x5180] =	vst v0  }
0x1c: {  	[tilespmem:s0+$0x5190] =	vst v0  }
0x1d: {  	[tilespmem:s0+$0x51A0] =	vst v0  }
0x1e: {  	[tilespmem:s0+$0x51B0] =	vst v0  }
0x1f: {  	[tilespmem:s0+$0x51C0] =	vst v0  }
0x20: {  	[tilespmem:s0+$0x51D0] =	vst v0  }
0x21: {  	[tilespmem:s0+$0x51E0] =	vst v0;
	s28 =	simm.s32 $0x0  }
0x22: {  	[tilespmem:s28], [sflag:$0x2] =	stream.linear.gather [hbm4b:s6+s28], $0x2800, $0x38;
	[tilespmem:$0x1D200] =	vst v63  }
0x23: {  	_ =	swait.ge [sflag:s18], $0x2800  }
0x24: {  	[sflag:s18] =	ssyncset.done $0x0  }
0x25: {  	[sflag:s18] =	ssyncadd.s32 $0xFFFFD800  }
0x26: {  	[tilespmem:s19], [sflag:$0x2] =	stream.linear.gather [hbm4b:s7+s28], $0x2800, $0x38;
	[tilespmem:$0x1D200] =	vst v63  }
0x27: {  	_ =	swait.ge [sflag:s18], $0x2800  }
0x28: {  	[sflag:s18] =	ssyncset.done $0x0  }
0x29: {  	[sflag:s18] =	ssyncadd.s32 $0xFFFFD800  }
0x2a: {  	[tilespmem:s20], [sflag:$0x2] =	stream.linear.gather [hbm4b:s9+s28], $0x10, $0x38;
	[tilespmem:$0x1D200] =	vst v63  }
0x2b: {  	_ =	swait.ge [sflag:s18], $0x10  }
0x2c: {  	[sflag:s18] =	ssyncset.done $0x0  }
0x2d: {  	[sflag:s18] =	ssyncadd.s32 $0xFFFFFFF0  }
0x2e: {  	[spmem:s10] =	stream.linear.scatter [tilespmem:s21], [sflag:$0x2], $0x4000, $0x38;
	[tilespmem:$0x1D200] =	vst v63  }
0x2f: {  	_ =	swait.ge [sflag:s18], $0x4000  }
0x30: {  	[sflag:s18] =	ssyncset.done $0x0  }
0x31: {  	[sflag:s18] =	ssyncadd.s32 $0xFFFFC000  }
0x32: {  	[spmem:s11] =	stream.linear.scatter [tilespmem:s21], [sflag:$0x2], $0x4000, $0x38;
	[tilespmem:$0x1D200] =	vst v63  }
0x33: {  	_ =	swait.ge [sflag:s18], $0x4000  }
0x34: {  	[sflag:s18] =	ssyncset.done $0x0  }
0x35: {  	[sflag:s18] =	ssyncadd.s32 $0xFFFFC000  }
0x36: {  	[spmem:s12] =	stream.linear.scatter [tilespmem:s21], [sflag:$0x2], $0x4000, $0x38;
	[tilespmem:$0x1D200] =	vst v63  }
0x37: {  	_ =	swait.ge [sflag:s18], $0x4000  }
0x38: {  	[sflag:s18] =	ssyncset.done $0x0  }
0x39: {  	[sflag:s18] =	ssyncadd.s32 $0xFFFFC000  }
0x3a: {  	[spmem:s13] =	stream.linear.scatter [tilespmem:s21], [sflag:$0x2], $0x4000, $0x38;
	[tilespmem:$0x1D200] =	vst v63  }
0x3b: {  	_ =	swait.ge [sflag:s18], $0x4000  }
0x3c: {  	[sflag:s18] =	ssyncset.done $0x0  }
0x3d: {  	[sflag:s18] =	ssyncadd.s32 $0xFFFFC000  }
0x3e: {  	[spmem:s14] =	stream.linear.scatter [tilespmem:s21], [sflag:$0x2], $0x4000, $0x38;
	[tilespmem:$0x1D200] =	vst v63  }
0x3f: {  	_ =	swait.ge [sflag:s18], $0x4000  }
0x40: {  	[sflag:s18] =	ssyncset.done $0x0  }
0x41: {  	[sflag:s18] =	ssyncadd.s32 $0xFFFFC000  }
0x42: {  	[bflag:$0x0] =	sbarrier.arrive $0xFFFF  }
0x43: {  	s29 =	simm.s32 $0x0;
	v1 =	vld [tilespmem:$0x9180]  }
.LBB2_4:
0x44: {  	s0 =	sadd.s32 s15, s29  }
0x45: {  	s0 =	sshll.u32 s0, $0x4  }
0x46: {  	s30 =	sadd.s32 s1, s0  }
0x47: {  	[tilespmem:s22], [sflag:$0x2] =	stream.linear.gather [hbm4b:s30+s28], $0x80, $0x38;
	[tilespmem:$0x1D200] =	vst v63  }
0x48: {  	_ =	swait.ge [sflag:s18], $0x80  }
0x49: {  	[sflag:s18] =	ssyncset.done $0x0  }
0x4a: {  	s0 =	sadd.s32 s8, s0;
	[sflag:s18] =	ssyncadd.s32 $0xFFFFFF80  }
0x4b: {  	[tilespmem:s23], [sflag:$0x2] =	stream.linear.gather [hbm4b:s0+s28], $0x80, $0x38;
	[tilespmem:$0x1D200] =	vst v63  }
0x4c: {  	_ =	swait.ge [sflag:s18], $0x80  }
0x4d: {  	[sflag:s18] =	ssyncset.done $0x0  }
0x4e: {  	[sflag:s18] =	ssyncadd.s32 $0xFFFFFF80  }
0x4f: {  	[tilespmem:s21], [sflag:$0x1] =	stream.indirect.gather [hbm4b:s5+s24], $0x80, s22, s24, $0xb8;
	[tilespmem:$0x1D200] =	vst v63  }
0x50: {  	v2 =	vld [tilespmem:$0x5000]  }
0x51: {  	v3 =	vld [tilespmem:$0x5080];
	_ =	sdelay $0x6  }
0x52: {  	v2 =	vld.idx.msk [tilespmem:v2+s28+$0x0], $0xffff  }
0x53: {  	v3 =	vld.idx.msk [tilespmem:v3+s19+$0x0], $0xffff;
	_ =	sdelay $0x4  }
0x54: {  	v2 =	vadd.f32 v3, v2;
	_ =	sdelay $0x1  }
0x55: {  	v3 =	vmul.f32 $2.000000030e-01, v2  }
0x56: {  	vm0 =	vge.f32 v2, $0.0e+00  }
0x57: {  	v2 =	vsel vm0, v2, v3  }
0x58: {  	v2 =	vsub.f32 v2, v1;
	_ =	sdelay $0x1  }
0x59: {  	v2 =	vmul.f32 $1.442695020e+00, v2;
	_ =	sdelay $0x1  }
0x5a: {  	(erf) = vpow2.f32 v2;
	_ =	sdelay $0x2  }
0x5b: {  	v2 =	vld [tilespmem:$0x5010]  }
0x5c: {  	v3 =	vld [tilespmem:$0x5090];
	_ =	sdelay $0x4  }
0x5d: {  	v4 =	vpop (erf)  }
0x5e: {  	[tilespmem:$0x5100] =	vst v4  }
0x5f: {  	v2 =	vld.idx.msk [tilespmem:v2+s28+$0x0], $0xffff  }
0x60: {  	v3 =	vld.idx.msk [tilespmem:v3+s19+$0x0], $0xffff;
	_ =	sdelay $0x4  }
0x61: {  	v2 =	vadd.f32 v3, v2;
	_ =	sdelay $0x1  }
0x62: {  	v3 =	vmul.f32 $2.000000030e-01, v2  }
0x63: {  	vm9 =	vge.f32 v2, $0.0e+00  }
0x64: {  	v2 =	vsel vm9, v2, v3  }
0x65: {  	v2 =	vsub.f32 v2, v1;
	_ =	sdelay $0x1  }
0x66: {  	v2 =	vmul.f32 $1.442695020e+00, v2;
	_ =	sdelay $0x1  }
0x67: {  	(erf) = vpow2.f32 v2;
	_ =	sdelay $0x2  }
0x68: {  	v2 =	vld [tilespmem:$0x5020]  }
0x69: {  	v3 =	vld [tilespmem:$0x50A0];
	_ =	sdelay $0x4  }
0x6a: {  	v4 =	vpop (erf)  }
0x6b: {  	[tilespmem:$0x5110] =	vst v4  }
0x6c: {  	v2 =	vld.idx.msk [tilespmem:v2+s28+$0x0], $0xffff  }
0x6d: {  	v3 =	vld.idx.msk [tilespmem:v3+s19+$0x0], $0xffff;
	_ =	sdelay $0x4  }
0x6e: {  	v2 =	vadd.f32 v3, v2;
	_ =	sdelay $0x1  }
0x6f: {  	v3 =	vmul.f32 $2.000000030e-01, v2  }
0x70: {  	vm10 =	vge.f32 v2, $0.0e+00  }
0x71: {  	v2 =	vsel vm10, v2, v3  }
0x72: {  	v2 =	vsub.f32 v2, v1;
	_ =	sdelay $0x1  }
0x73: {  	v2 =	vmul.f32 $1.442695020e+00, v2;
	_ =	sdelay $0x1  }
0x74: {  	(erf) = vpow2.f32 v2;
	_ =	sdelay $0x2  }
0x75: {  	v2 =	vld [tilespmem:$0x5030]  }
0x76: {  	v3 =	vld [tilespmem:$0x50B0];
	_ =	sdelay $0x4  }
0x77: {  	v4 =	vpop (erf)  }
0x78: {  	[tilespmem:$0x5120] =	vst v4  }
0x79: {  	v2 =	vld.idx.msk [tilespmem:v2+s28+$0x0], $0xffff  }
0x7a: {  	v3 =	vld.idx.msk [tilespmem:v3+s19+$0x0], $0xffff;
	_ =	sdelay $0x4  }
0x7b: {  	v2 =	vadd.f32 v3, v2;
	_ =	sdelay $0x1  }
0x7c: {  	v3 =	vmul.f32 $2.000000030e-01, v2  }
0x7d: {  	vm11 =	vge.f32 v2, $0.0e+00  }
0x7e: {  	v2 =	vsel vm11, v2, v3  }
0x7f: {  	v2 =	vsub.f32 v2, v1;
	_ =	sdelay $0x1  }
0x80: {  	v2 =	vmul.f32 $1.442695020e+00, v2;
	_ =	sdelay $0x1  }
0x81: {  	(erf) = vpow2.f32 v2;
	_ =	sdelay $0x2  }
0x82: {  	v2 =	vld [tilespmem:$0x5040]  }
0x83: {  	v3 =	vld [tilespmem:$0x50C0];
	_ =	sdelay $0x4  }
0x84: {  	v4 =	vpop (erf)  }
0x85: {  	[tilespmem:$0x5130] =	vst v4  }
0x86: {  	v2 =	vld.idx.msk [tilespmem:v2+s28+$0x0], $0xffff  }
0x87: {  	v3 =	vld.idx.msk [tilespmem:v3+s19+$0x0], $0xffff;
	_ =	sdelay $0x4  }
0x88: {  	v2 =	vadd.f32 v3, v2;
	_ =	sdelay $0x1  }
0x89: {  	v3 =	vmul.f32 $2.000000030e-01, v2  }
0x8a: {  	vm12 =	vge.f32 v2, $0.0e+00  }
0x8b: {  	v2 =	vsel vm12, v2, v3  }
0x8c: {  	v2 =	vsub.f32 v2, v1;
	_ =	sdelay $0x1  }
0x8d: {  	v2 =	vmul.f32 $1.442695020e+00, v2;
	_ =	sdelay $0x1  }
0x8e: {  	(erf) = vpow2.f32 v2;
	_ =	sdelay $0x2  }
0x8f: {  	v2 =	vld [tilespmem:$0x5050]  }
0x90: {  	v3 =	vld [tilespmem:$0x50D0];
	_ =	sdelay $0x4  }
0x91: {  	v4 =	vpop (erf)  }
0x92: {  	[tilespmem:$0x5140] =	vst v4  }
0x93: {  	v2 =	vld.idx.msk [tilespmem:v2+s28+$0x0], $0xffff  }
0x94: {  	v3 =	vld.idx.msk [tilespmem:v3+s19+$0x0], $0xffff;
	_ =	sdelay $0x4  }
0x95: {  	v2 =	vadd.f32 v3, v2;
	_ =	sdelay $0x1  }
0x96: {  	v3 =	vmul.f32 $2.000000030e-01, v2  }
0x97: {  	vm13 =	vge.f32 v2, $0.0e+00  }
0x98: {  	v2 =	vsel vm13, v2, v3  }
0x99: {  	v2 =	vsub.f32 v2, v1;
	_ =	sdelay $0x1  }
0x9a: {  	v2 =	vmul.f32 $1.442695020e+00, v2;
	_ =	sdelay $0x1  }
0x9b: {  	(erf) = vpow2.f32 v2;
	_ =	sdelay $0x2  }
0x9c: {  	v2 =	vld [tilespmem:$0x5060]  }
0x9d: {  	v3 =	vld [tilespmem:$0x50E0];
	_ =	sdelay $0x4  }
0x9e: {  	v4 =	vpop (erf)  }
0x9f: {  	[tilespmem:$0x5150] =	vst v4  }
0xa0: {  	v2 =	vld.idx.msk [tilespmem:v2+s28+$0x0], $0xffff  }
0xa1: {  	v3 =	vld.idx.msk [tilespmem:v3+s19+$0x0], $0xffff;
	_ =	sdelay $0x4  }
0xa2: {  	v2 =	vadd.f32 v3, v2;
	_ =	sdelay $0x1  }
0xa3: {  	v3 =	vmul.f32 $2.000000030e-01, v2  }
0xa4: {  	vm14 =	vge.f32 v2, $0.0e+00  }
0xa5: {  	v2 =	vsel vm14, v2, v3  }
0xa6: {  	v2 =	vsub.f32 v2, v1;
	_ =	sdelay $0x1  }
0xa7: {  	v2 =	vmul.f32 $1.442695020e+00, v2;
	_ =	sdelay $0x1  }
0xa8: {  	(erf) = vpow2.f32 v2;
	_ =	sdelay $0x2  }
0xa9: {  	v2 =	vld [tilespmem:$0x5070]  }
0xaa: {  	v3 =	vld [tilespmem:$0x50F0];
	_ =	sdelay $0x4  }
0xab: {  	v4 =	vpop (erf)  }
0xac: {  	[tilespmem:$0x5160] =	vst v4  }
0xad: {  	v2 =	vld.idx.msk [tilespmem:v2+s28+$0x0], $0xffff  }
0xae: {  	v3 =	vld.idx.msk [tilespmem:v3+s19+$0x0], $0xffff;
	_ =	sdelay $0x4  }
0xaf: {  	v2 =	vadd.f32 v3, v2;
	_ =	sdelay $0x1  }
0xb0: {  	v3 =	vmul.f32 $2.000000030e-01, v2  }
0xb1: {  	vm15 =	vge.f32 v2, $0.0e+00  }
0xb2: {  	v2 =	vsel vm15, v2, v3  }
0xb3: {  	v2 =	vsub.f32 v2, v1;
	_ =	sdelay $0x1  }
0xb4: {  	v2 =	vmul.f32 $1.442695020e+00, v2;
	_ =	sdelay $0x1  }
0xb5: {  	(erf) = vpow2.f32 v2;
	_ =	sdelay $0x8  }
0xb6: {  	v2 =	vpop (erf)  }
0xb7: {  	[tilespmem:$0x5170] =	vst v2  }
0xb8: {  	v2 =	vmov s28;
	_ =	swait.ge [sflag:s25], $0x4000  }
0xb9: {  	[sflag:s25] =	ssyncset.done $0x0  }
0xba: {  	s30 =	simm.s32 $0x51A0;
	[sflag:s25] =	ssyncadd.s32 $0xFFFFC000  }
0xbb: {  	v3 =	vld [tilespmem:s30+$0xFFFFFFF0]  }
0xbc: {  	v4 =	vld [tilespmem:s30+$0x10]  }
0xbd: {  	v7 =	vld.idx.msk [tilespmem:v2+s26+$0x0], $0xffff  }
0xbe: {  	v2 =	vld [tilespmem:s30+$0xFFFFFFE0]  }
0xbf: {  	v6 =	vld [tilespmem:s30+$0x0]  }
0xc0: {  	v8 =	vld [tilespmem:s30+$0x20];
	_ =	sdelay $0x2  }
0xc1: {  	v9 =	vmul.f32 v2, v7  }
0xc2: {  	s0 =	simm.s32 $0x1;
	v5 =	vmul.f32 v3, v7;
	v6 =	vmul.f32 v6, v7  }
0xc3: {  	s31 =	simm.s32 $0x51A0;
	v3 =	vmul.f32 v4, v7;
	v2 =	vmov s0;
	s0 =	simm.s32 $0x2;
	v4 =	vmul.f32 v8, v7;
	[tilespmem:s30+$0xFFFFFFE0] =	vst v9  }
.LBB2_5:
0xc4: {  	p0 =	sne.s32 s0, $0x7F;
	[tilespmem:s30+$0xFFFFFFF0] =	vst v5  }
0xc5: {  	s30 =	sadd.s32 $0x80, s30;
	[tilespmem:s31+$0x0] =	vst v6  }
0xc6: {  	v5 =	vld [tilespmem:s30+$0xFFFFFFF0];
	[tilespmem:s31+$0x10] =	vst v3  }
0xc7: {  	v3 =	vld [tilespmem:s30+$0x10];
	[tilespmem:s31+$0x20] =	vst v4;
	s31 =	smov.u32 s30  }
0xc8: {  	v4 =	vld.idx.msk [tilespmem:v2+s26+$0x0], $0xffff  }
0xc9: {  	v2 =	vld [tilespmem:s30+$0xFFFFFFE0]  }
0xca: {  	v6 =	vld [tilespmem:s30+$0x0]  }
0xcb: {  	v7 =	vld [tilespmem:s30+$0x20]  }
.Ltmp1:
0xcc: {  	(pc) =	sbr.rel @p0 .LBB2_5-.Ltmp1, $4  }
0xcd: {  	_ = 	snop  }
0xce: {  	v5 =	vmul.f32 v5, v4;
	v8 =	vmul.f32 v2, v4  }
0xcf: {  	v3 =	vmul.f32 v3, v4;
	v6 =	vmul.f32 v6, v4  }
0xd0: {  	v2 =	vmov s0;
	s0 =	sadd.s32 $0x1, s0;
	[tilespmem:s30+$0xFFFFFFE0] =	vst v8;
	v4 =	vmul.f32 v7, v4  }
0xd1: {  	[tilespmem:s30+$0xFFFFFFF0] =	vst v5  }
0xd2: {  	s0 =	sadd.s32 $0x80, s30;
	[tilespmem:s31+$0x0] =	vst v6  }
0xd3: {  	v5 =	vld [tilespmem:s0+$0xFFFFFFF0];
	[tilespmem:s31+$0x10] =	vst v3  }
0xd4: {  	v3 =	vld [tilespmem:s0+$0x10]  }
0xd5: {  	[tilespmem:s31+$0x20] =	vst v4;
	v63 =	vld [tilespmem:s0+$0xFFFFFFE0]  }
0xd6: {  	v2 =	vld.idx.msk [tilespmem:v2+s26+$0x0], $0xffff;
	_ =	sdelay $0x1  }
0xd7: {  	v6 =	vld [tilespmem:s0+$0x0];
	_ =	sdelay $0x1  }
0xd8: {  	v7 =	vld [tilespmem:s0+$0x20]  }
0xd9: {  	v4 =	vmul.f32 v63, v2  }
0xda: {  	v5 =	vmul.f32 v5, v2  }
0xdb: {  	v6 =	vmul.f32 v6, v2;
	[tilespmem:s0+$0xFFFFFFE0] =	vst v4  }
0xdc: {  	v3 =	vmul.f32 v3, v2;
	[tilespmem:s0+$0xFFFFFFF0] =	vst v5  }
0xdd: {  	s29 =	sadd.s32 $0x1, s29;
	v2 =	vmul.f32 v7, v2;
	[tilespmem:s0+$0x0] =	vst v6  }
0xde: {  	p0 =	sne.s32 s29, $0x4F;
	[tilespmem:s0+$0x10] =	vst v3  }
.Ltmp2:
0xdf: {  	[tilespmem:s0+$0x20] =	vst v2;
	(pc) =	sbr.rel @p0 .LBB2_4-.Ltmp2, $4  }
0xe0: {  	[spmem:s2] =	stream.indirect.scatter.add.f32 [tilespmem:s21], [sflag:$0x2], $0x80, s23, s24, $0xb8;
	[tilespmem:$0x1D200] =	vst v63  }
0xe1: {  	_ =	swait.ge [sflag:s18], $0x4000  }
0xe2: {  	[sflag:s18] =	ssyncset.done $0x0  }
0xe3: {  	[sflag:s18] =	ssyncadd.s32 $0xFFFFC000  }
0xe4: {  	s4 =	sadd.s32 $0x1, s4  }
0xe5: {  	s0 =	sshll.u32 s3, $0x6;
	[bflag:$0x0] =	sbarrier.arrive $0xFFFF;
	p0 =	sne.s32 s4, s17  }
.Ltmp3:
0xe6: {  	s28 =	sshrl.u32 s10, $0x3;
	s0 =	sor.u32 $0x1C02, s0;
	(pc) =	sbr.rel @p0 .LBB2_1-.Ltmp3, $4  }
0xe7: {  	[hbm:s16], [sflag:s0] =	dma.local [spmem:s28], $0x2800  }
0xe8: {  	_ =	swait.ge [sflag:s18], $0x2800  }
0xe9: {  	[sflag:s18] =	ssyncset.done $0x0  }
0xea: {  	[sflag:s18] =	ssyncadd.s32 $0xFFFFD800  }
0xeb: {  	_ =	sfence.sel $0x180000  }
0xec: {  	[bflag:$0x0] =	sbarrier.arrive $0xFFFF  }
0xed: {  	_ =	strace $0x90000047  }
0xee: {  	[bflag:$0x2] =	sbarrier.arrive $0xFFFF  }
0xef: {  	p0 =	sne.s32 s3, $0x0;
	s0 =	rddreg [dreg:$0x3]  }
0xf0: {  	s0 =	sadd.s32 @!p0 $0x100000, s0  }
0xf1: {  	[sflag:s0] =	ssyncadd.tile.s32 @!p0 $0x1;
	_ =	shalt  }
.Lfunc_end2:
_tile_overlayer_lowered:
.L_overlay_start_2:
0xf2: {  	(tag) =	ssettag $0x2  }
0xf3: {  	s0 =	rddreg [dreg:$0x0];
	s2 =	stileid.u32  }
0xf4: {  	s1 =	rddreg [dreg:$0x1];
	p0 =	sne.s32 s2, $0x0  }
0xf5: {  	s3 =	rddreg [dreg:$0x2];
	[bflag:$0x3] =	sbarrier.arrive $0xFFFF;
	s2 =	simm.s32 @!p0 $0x1C02  }
0xf6: {  	[timem:s3], [sflag:s2] =	dma.local @!p0 [hbm:s0], s1  }
0xf7: {  	s0 =	simm.s32 @!p0 $0x2  }
0xf8: {  	_ =	swait.ge @!p0 [sflag:s0], s1  }
0xf9: {  	s1 =	ssub.s32 @!p0 $0x0, s1;
	[sflag:s0] =	ssyncset.done @!p0 $0x0  }
0xfa: {  	[sflag:s0] =	ssyncadd.s32 @!p0 s1  }
0xfb: {  	[bflag:$0x3] =	sbarrier.arrive $0xFFFF  }
0xfc: {  	_ =	shalt  }

</sc_bundles>
